<compile_context>
chip_gen: v7x
topology: tpu7x:2x2x1
jax: 0.10.2.dev20260603
libtpu: 0.0.44.dev20260713+nightly
codegen_flags: <defaults>
</compile_context>

<pallas_src>
import jax
import jax.numpy as jnp
from jax import lax
from jax.experimental import pallas as pl
from jax.experimental.pallas import tpu as pltpu
from jax.experimental.pallas import tpu_sc as plsc

NU = 25000
NT = 16
HALF = 25088
NP = 2 * HALF
D = 64
E = 800000
RPT = HALF // NT
EPC = 819200
PAD = EPC - E
ET = EPC // NT
K = 200
NCH = ET // K

_MESH = plsc.VectorSubcoreMesh(core_axis_name="c", subcore_axis_name="s")
_SC_PARAMS = pltpu.CompilerParams(use_tc_tiling_on_sc=False)


def _idx_copy(idx_hbm, off, ref, sem):
    return pltpu.make_async_copy(idx_hbm.at[pl.ds(off, K)], ref, sem)


def _sc_deg_body(sidx_hbm, ones_hbm, deg_hbm, dacc, ones_v,
                 si0, si1, si2, si3, ss0, ss1, ss2, ss3, sw0, sw1):
    cid = lax.axis_index("c")
    sid = lax.axis_index("s")
    ebase = cid * EPC + sid * ET
    rbase = sid * RPT
    si = (si0, si1, si2, si3)
    ss = (ss0, ss1, ss2, ss3)
    sw = (sw0, sw1)
    pltpu.sync_copy(ones_hbm.at[pl.ds(0, K)], ones_v)
    pltpu.sync_copy(ones_hbm.at[pl.ds(rbase, RPT)], dacc.at[pl.ds(rbase, RPT)])
    plsc.subcore_barrier()

    def scat(a, w):
        return pltpu.make_async_copy(ones_v, dacc.at[si[a]], sw[w])

    _idx_copy(sidx_hbm, ebase, si0, ss0).start()
    _idx_copy(sidx_hbm, ebase + K, si1, ss1).start()

    @pl.loop(0, NCH, step=4)
    def _(j):
        for t in range(4):
            c = j + t
            a, w = t, t % 2
            _idx_copy(sidx_hbm, ebase, si[a], ss[a]).wait()

            @pl.when(c >= 2)
            def _():
                scat((t + 2) % 4, w).wait()

            pltpu.async_copy(ones_v, dacc.at[si[a]], sw[w], add=True)

            @pl.when(c + 2 < NCH)
            def _():
                _idx_copy(sidx_hbm, ebase + (c + 2) * K,
                          si[(t + 2) % 4], ss[(t + 2) % 4]).start()

    scat(2, 0).wait()
    scat(3, 1).wait()
    plsc.subcore_barrier()
    pltpu.sync_copy(dacc.at[pl.ds(rbase, RPT)],
                    deg_hbm.at[pl.ds(cid * HALF + rbase, RPT)])


def _sc_deg(sidx, ones16):
    f = pl.kernel(
        _sc_deg_body,
        out_type=jax.ShapeDtypeStruct((NP, 16), jnp.float32),
        mesh=_MESH,
        compiler_params=_SC_PARAMS,
        scratch_types=[
            pltpu.VMEM_SHARED((HALF, 16), jnp.float32),
            pltpu.VMEM((K, 16), jnp.float32),
            pltpu.VMEM((K,), jnp.int32),
            pltpu.VMEM((K,), jnp.int32),
            pltpu.VMEM((K,), jnp.int32),
            pltpu.VMEM((K,), jnp.int32),
            pltpu.SemaphoreType.DMA,
            pltpu.SemaphoreType.DMA,
            pltpu.SemaphoreType.DMA,
            pltpu.SemaphoreType.DMA,
            pltpu.SemaphoreType.DMA,
            pltpu.SemaphoreType.DMA,
        ],
    )
    return f(sidx, ones16)


def _sc_agg_body(y_hbm, gidx_hbm, sidx_hbm, z_hbm, acc,
                 gi0, gi1, gi2, gi3, si0, si1, si2, si3, rb0, rb1,
                 sg0, sg1, sg2, sg3, ss0, ss1, ss2, ss3,
                 sr0, sr1, sw0, sw1):
    cid = lax.axis_index("c")
    sid = lax.axis_index("s")
    ebase = cid * EPC + sid * ET
    rbase = sid * RPT
    gi = (gi0, gi1, gi2, gi3)
    si = (si0, si1, si2, si3)
    rb = (rb0, rb1)
    sg = (sg0, sg1, sg2, sg3)
    ss = (ss0, ss1, ss2, ss3)
    sr = (sr0, sr1)
    sw = (sw0, sw1)
    pltpu.sync_copy(y_hbm.at[pl.ds(cid * HALF + rbase, RPT)],
                    acc.at[pl.ds(rbase, RPT)])
    plsc.subcore_barrier()

    def gat(a, r):
        return pltpu.make_async_copy(y_hbm.at[gi[a]], rb[r], sr[r])

    def scat(a, r):
        return pltpu.make_async_copy(rb[r], acc.at[si[a]], sw[r])

    def idx_start(c, a):
        _idx_copy(gidx_hbm, ebase + c * K, gi[a], sg[a]).start()
        _idx_copy(sidx_hbm, ebase + c * K, si[a], ss[a]).start()

    idx_start(0, 0)
    idx_start(1, 1)
    idx_start(2, 2)
    _idx_copy(gidx_hbm, ebase, gi0, sg0).wait()
    gat(0, 0).start()

    @pl.loop(0, NCH, step=4)
    def _(j):
        for t in range(4):
            c = j + t
            a, r = t, t % 2
            an, rn = (t + 1) % 4, (t + 1) % 2
            gat(a, r).wait()

            @pl.when(c + 1 < NCH)
            def _():
                _idx_copy(gidx_hbm, ebase, gi[an], sg[an]).wait()

            @pl.when(c >= 1)
            def _():
                scat((t + 3) % 4, rn).wait()

            @pl.when(c + 1 < NCH)
            def _():
                gat(an, rn).start()

            _idx_copy(sidx_hbm, ebase, si[a], ss[a]).wait()
            scat(a, r).start(add=True)

            @pl.when(c + 3 < NCH)
            def _():
                idx_start(c + 3, (t + 3) % 4)

    scat(3, 1).wait()
    plsc.subcore_barrier()
    pltpu.sync_copy(acc.at[pl.ds(rbase, RPT)],
                    z_hbm.at[pl.ds(cid * HALF + rbase, RPT)])


def _sc_agg(y, gidx, sidx):
    f = pl.kernel(
        _sc_agg_body,
        out_type=jax.ShapeDtypeStruct((NP, D), jnp.float32),
        mesh=_MESH,
        compiler_params=_SC_PARAMS,
        scratch_types=(
            [pltpu.VMEM_SHARED((HALF, D), jnp.float32)]
            + [pltpu.VMEM((K,), jnp.int32)] * 8
            + [pltpu.VMEM((K, D), jnp.float32)] * 2
            + [pltpu.SemaphoreType.DMA] * 12
        ),
    )
    return f(y, gidx, sidx)


_R = 6272


def _dinv(deg_blk):
    return lax.rsqrt(deg_blk[:, 0:1])


def _tc_pre_body(x_ref, w_ref, deg_ref, y_ref):
    y_ref[...] = jnp.dot(x_ref[...], w_ref[...],
                         preferred_element_type=jnp.float32) * _dinv(deg_ref[...])


def _tc_mid_body(z_ref, deg_ref, b_ref, w_ref, y_ref):
    di = _dinv(deg_ref[...])
    a = jnp.maximum(z_ref[...] * di + b_ref[...], 0.0)
    y_ref[...] = jnp.dot(a, w_ref[...], preferred_element_type=jnp.float32) * di


def _tc_post_body(z_ref, deg_ref, b_ref, o_ref):
    o_ref[...] = jnp.maximum(
        z_ref[...] * _dinv(deg_ref[...]) + b_ref[...], 0.0)


def _row_spec(w):
    return pl.BlockSpec((_R, w), lambda i: (i, 0))


def _full_spec(h, w):
    return pl.BlockSpec((h, w), lambda i: (0, 0))


def _tc_pre(x, W, deg):
    return pl.pallas_call(
        _tc_pre_body,
        grid=(NP // _R,),
        in_specs=[_row_spec(D), _full_spec(D, D), _row_spec(16)],
        out_specs=_row_spec(D),
        out_shape=jax.ShapeDtypeStruct((NP, D), jnp.float32),
    )(x, W, deg)


def _tc_mid(z, deg, b, W):
    return pl.pallas_call(
        _tc_mid_body,
        grid=(NP // _R,),
        in_specs=[_row_spec(D), _row_spec(16), _full_spec(1, D),
                  _full_spec(D, D)],
        out_specs=_row_spec(D),
        out_shape=jax.ShapeDtypeStruct((NP, D), jnp.float32),
    )(z, deg, b, W)


def _tc_post(z, deg, b):
    return pl.pallas_call(
        _tc_post_body,
        grid=(NP // _R,),
        in_specs=[_row_spec(D), _row_spec(16), _full_spec(1, D)],
        out_specs=_row_spec(D),
        out_shape=jax.ShapeDtypeStruct((NP, D), jnp.float32),
    )(z, deg, b)


def kernel(edge_index, users_emb, items_emb, W1, b1, W2, b2):
    src = edge_index[0].astype(jnp.int32)
    dst = edge_index[1].astype(jnp.int32)
    pg = (jnp.arange(PAD, dtype=jnp.int32) * 131) % NU
    ps = NU + (jnp.arange(PAD, dtype=jnp.int32) % (HALF - NU))
    gidx = jnp.concatenate([dst + HALF, pg + HALF, src, pg])
    sidx = jnp.concatenate([src, ps, dst, ps])
    pad = jnp.zeros((HALF - NU, D), jnp.float32)
    x = jnp.concatenate([users_emb, pad, items_emb, pad], axis=0)
    ones16 = jnp.ones((HALF, 16), jnp.float32)

    deg = _sc_deg(sidx, ones16)
    y1 = _tc_pre(x, W1, deg)
    z1 = _sc_agg(y1, gidx, sidx)
    y2 = _tc_mid(z1, deg, b1.reshape(1, D), W2)
    z2 = _sc_agg(y2, gidx, sidx)
    x2 = _tc_post(z2, deg, b2.reshape(1, D))

    return (x2[:NU], users_emb, x2[HALF:HALF + NU], items_emb)

# --- scband reference (transcript-rebuilt; emitter-appended) ---
"""Pipeline reference for scband-base-gcn-6725918785568 (READ-ONLY COPY).

The authoritative reference and input builder live on the scoring server;
editing this copy changes nothing except your own understanding.
"""

import jax, jax.numpy as jnp
import numpy as np

NUM_USERS = 25000
NUM_ITEMS = 25000
EMB = 64
E = 800000
N = NUM_USERS + NUM_ITEMS


def setup_inputs(seed: int = 0) -> dict:
    key = jax.random.key(seed)
    ks = jax.random.split(key, 8)
    edge_index = jnp.stack([
        jax.random.randint(ks[0], (E,), 0, NUM_USERS),
        jax.random.randint(ks[1], (E,), 0, NUM_ITEMS),
    ], axis=0)
    users_emb = jax.random.normal(ks[2], (NUM_USERS, EMB), dtype=jnp.float32) * 0.1
    items_emb = jax.random.normal(ks[3], (NUM_ITEMS, EMB), dtype=jnp.float32) * 0.1
    bound = float(np.sqrt(6.0 / (EMB + EMB)))
    W1 = jax.random.uniform(ks[4], (EMB, EMB), minval=-bound, maxval=bound, dtype=jnp.float32)
    W2 = jax.random.uniform(ks[5], (EMB, EMB), minval=-bound, maxval=bound, dtype=jnp.float32)
    b1 = jnp.zeros((EMB,), jnp.float32)
    b2 = jnp.zeros((EMB,), jnp.float32)
    return {"edge_index": edge_index, "users_emb": users_emb, "items_emb": items_emb,
            "W1": W1, "b1": b1, "W2": W2, "b2": b2}


def _gcn_conv(x, W, b, src, dst, num_nodes):
    # GCNConv: x' = D^{-1/2} (A + I) D^{-1/2} X W + b  (self-loops already in src/dst)
    xw = x @ W
    deg = jnp.zeros((num_nodes,), jnp.float32).at[dst].add(1.0)
    dinv = jnp.where(deg > 0, jax.lax.rsqrt(jnp.maximum(deg, 1e-12)), 0.0)
    norm = dinv[src] * dinv[dst]
    msgs = xw[src] * norm[:, None]
    out = jnp.zeros_like(xw).at[dst].add(msgs)
    return out + b


def reference(edge_index, users_emb, items_emb, W1, b1, W2, b2):
    src_b = edge_index[0]
    dst_b = edge_index[1] + NUM_USERS
    # undirected bipartite edges + self loops
    sl = jnp.arange(N, dtype=src_b.dtype)
    src = jnp.concatenate([src_b, dst_b, sl])
    dst = jnp.concatenate([dst_b, src_b, sl])
    x = jnp.concatenate([users_emb, items_emb], axis=0)
    emb0 = x
    x = jax.nn.relu(_gcn_conv(x, W1, b1, src, dst, N))
    x = jax.nn.relu(_gcn_conv(x, W2, b2, src, dst, N))
    users_final = x[:NUM_USERS]
    items_final = x[NUM_USERS:]
    users_0 = emb0[:NUM_USERS]
    items_0 = emb0[NUM_USERS:]
    return (users_final, users_0, items_final, items_0)

if __name__ == "__main__":
    import jax
    _d = setup_inputs()
    print(jax.jit(kernel)(*tuple(_d.values())))

</pallas_src>

<mosaic_0001>
#map = affine_map<(d0, d1) -> (0, 0)>
#map1 = affine_map<(d0, d1) -> (0)>
module attributes {stable_mosaic.version = 14 : i64} {
  func.func @_sc_agg_body(%arg0: i32, %arg1: i32, %arg2: memref<50176x64xf32, #tpu.memory_space<hbm>>, %arg3: memref<1638400xi32, #tpu.memory_space<hbm>>, %arg4: memref<1638400xi32, #tpu.memory_space<hbm>>, %arg5: memref<50176x64xf32, #tpu.memory_space<hbm>>, %arg6: memref<25088x64xf32, #tpu.memory_space<vmem_shared>>, %arg7: memref<200xi32, #tpu.memory_space<vmem>>, %arg8: memref<200xi32, #tpu.memory_space<vmem>>, %arg9: memref<200xi32, #tpu.memory_space<vmem>>, %arg10: memref<200xi32, #tpu.memory_space<vmem>>, %arg11: memref<200xi32, #tpu.memory_space<vmem>>, %arg12: memref<200xi32, #tpu.memory_space<vmem>>, %arg13: memref<200xi32, #tpu.memory_space<vmem>>, %arg14: memref<200xi32, #tpu.memory_space<vmem>>, %arg15: memref<200x64xf32, #tpu.memory_space<vmem>>, %arg16: memref<200x64xf32, #tpu.memory_space<vmem>>, %arg17: memref<!tpu.dma_semaphore, #tpu.memory_space<semaphore_mem>>, %arg18: memref<!tpu.dma_semaphore, #tpu.memory_space<semaphore_mem>>, %arg19: memref<!tpu.dma_semaphore, #tpu.memory_space<semaphore_mem>>, %arg20: memref<!tpu.dma_semaphore, #tpu.memory_space<semaphore_mem>>, %arg21: memref<!tpu.dma_semaphore, #tpu.memory_space<semaphore_mem>>, %arg22: memref<!tpu.dma_semaphore, #tpu.memory_space<semaphore_mem>>, %arg23: memref<!tpu.dma_semaphore, #tpu.memory_space<semaphore_mem>>, %arg24: memref<!tpu.dma_semaphore, #tpu.memory_space<semaphore_mem>>, %arg25: memref<!tpu.dma_semaphore, #tpu.memory_space<semaphore_mem>>, %arg26: memref<!tpu.dma_semaphore, #tpu.memory_space<semaphore_mem>>, %arg27: memref<!tpu.dma_semaphore, #tpu.memory_space<semaphore_mem>>, %arg28: memref<!tpu.dma_semaphore, #tpu.memory_space<semaphore_mem>>) attributes {dimension_semantics = [#tpu.dimension_semantics<core_parallel>, #tpu.dimension_semantics<subcore_parallel>], iteration_bounds = array<i64: 2, 16>, scalar_prefetch = 0 : i64, scratch_operands = 23 : i64, tpu.core_type = #tpu.core_type<sc_vector_subcore>, window_params = [{transform_indices = #map}, {transform_indices = #map1}, {transform_indices = #map1}, {transform_indices = #map}]} {
    %mul3A = arith.constant 819200 : i32
    %mul3A_0 = arith.muli %arg0, %mul3A : i32
    %mul3A_1 = arith.constant 51200 : i32
    %mul3A_2 = arith.muli %arg1, %mul3A_1 : i32
    %add3A = arith.addi %mul3A_0, %mul3A_2 : i32
    %mul3A_3 = arith.constant 1568 : i32
    %mul3A_4 = arith.muli %arg1, %mul3A_3 : i32
    %mul3A_5 = arith.constant 25088 : i32
    %mul3A_6 = arith.muli %arg0, %mul3A_5 : i32
    %add3A_7 = arith.addi %mul3A_6, %mul3A_4 : i32
    "tpu.region"() ({
      %run_scoped3A = tpu.sem_alloc : memref<!tpu.dma_semaphore, #tpu.memory_space<semaphore_mem>>
      %dma_start3A_46 = arith.constant 0 : i32
      %dma_start3A_47 = tpu.memref_slice %arg6[%mul3A_4, %dma_start3A_46] : memref<25088x64xf32, #tpu.memory_space<vmem_shared>> -> memref<1568x64xf32, #tpu.memory_space<vmem_shared>>
      %dma_start3A_48 = arith.constant 0 : i32
      %dma_start3A_49 = tpu.memref_slice %arg2[%add3A_7, %dma_start3A_48] : memref<50176x64xf32, #tpu.memory_space<hbm>> -> memref<1568x64xf32, #tpu.memory_space<hbm>>
      tpu.enqueue_dma source(%dma_start3A_49 : memref<1568x64xf32, #tpu.memory_space<hbm>>) target(%dma_start3A_47 : memref<1568x64xf32, #tpu.memory_space<vmem_shared>>) target_semaphore(%run_scoped3A : memref<!tpu.dma_semaphore, #tpu.memory_space<semaphore_mem>>)
      %dma_wait3A_50 = arith.constant 0 : i32
      %dma_wait3A_51 = tpu.memref_slice %arg6[%mul3A_4, %dma_wait3A_50] : memref<25088x64xf32, #tpu.memory_space<vmem_shared>> -> memref<1568x64xf32, #tpu.memory_space<vmem_shared>>
      %dma_wait3A_52 = arith.constant 0 : i32
      %dma_wait3A_53 = tpu.memref_slice %arg2[%add3A_7, %dma_wait3A_52] : memref<50176x64xf32, #tpu.memory_space<hbm>> -> memref<1568x64xf32, #tpu.memory_space<hbm>>
      tpu.wait_dma2 semaphore(%run_scoped3A : memref<!tpu.dma_semaphore, #tpu.memory_space<semaphore_mem>>) src(%dma_wait3A_53 : memref<1568x64xf32, #tpu.memory_space<hbm>>) dst(%dma_wait3A_51 : memref<1568x64xf32, #tpu.memory_space<vmem_shared>>)
      tpu.yield
    }) : () -> ()
    %barrier3A = arith.constant 0 : index
    tpu.barrier barrier_id(%barrier3A)
    %add3A_8 = arith.constant 0 : i32
    %add3A_9 = arith.addi %add3A, %add3A_8 : i32
    %dma_start3A = tpu.memref_slice %arg3[%add3A_9] : memref<1638400xi32, #tpu.memory_space<hbm>> -> memref<200xi32, #tpu.memory_space<hbm>>
    %dma_start3A_10 = tpu.memref_slice %arg3[%add3A_9] : memref<1638400xi32, #tpu.memory_space<hbm>> -> memref<200xi32, #tpu.memory_space<hbm>>
    tpu.enqueue_dma source(%dma_start3A_10 : memref<200xi32, #tpu.memory_space<hbm>>) target(%arg7 : memref<200xi32, #tpu.memory_space<vmem>>) target_semaphore(%arg17 : memref<!tpu.dma_semaphore, #tpu.memory_space<semaphore_mem>>)
    %add3A_11 = arith.constant 0 : i32
    %add3A_12 = arith.addi %add3A, %add3A_11 : i32
    %dma_start3A_13 = tpu.memref_slice %arg4[%add3A_12] : memref<1638400xi32, #tpu.memory_space<hbm>> -> memref<200xi32, #tpu.memory_space<hbm>>
    %dma_start3A_14 = tpu.memref_slice %arg4[%add3A_12] : memref<1638400xi32, #tpu.memory_space<hbm>> -> memref<200xi32, #tpu.memory_space<hbm>>
    tpu.enqueue_dma source(%dma_start3A_14 : memref<200xi32, #tpu.memory_space<hbm>>) target(%arg11 : memref<200xi32, #tpu.memory_space<vmem>>) target_semaphore(%arg21 : memref<!tpu.dma_semaphore, #tpu.memory_space<semaphore_mem>>)
    %add3A_15 = arith.constant 200 : i32
    %add3A_16 = arith.addi %add3A, %add3A_15 : i32
    %dma_start3A_17 = tpu.memref_slice %arg3[%add3A_16] : memref<1638400xi32, #tpu.memory_space<hbm>> -> memref<200xi32, #tpu.memory_space<hbm>>
    %dma_start3A_18 = tpu.memref_slice %arg3[%add3A_16] : memref<1638400xi32, #tpu.memory_space<hbm>> -> memref<200xi32, #tpu.memory_space<hbm>>
    tpu.enqueue_dma source(%dma_start3A_18 : memref<200xi32, #tpu.memory_space<hbm>>) target(%arg8 : memref<200xi32, #tpu.memory_space<vmem>>) target_semaphore(%arg18 : memref<!tpu.dma_semaphore, #tpu.memory_space<semaphore_mem>>)
    %add3A_19 = arith.constant 200 : i32
    %add3A_20 = arith.addi %add3A, %add3A_19 : i32
    %dma_start3A_21 = tpu.memref_slice %arg4[%add3A_20] : memref<1638400xi32, #tpu.memory_space<hbm>> -> memref<200xi32, #tpu.memory_space<hbm>>
    %dma_start3A_22 = tpu.memref_slice %arg4[%add3A_20] : memref<1638400xi32, #tpu.memory_space<hbm>> -> memref<200xi32, #tpu.memory_space<hbm>>
    tpu.enqueue_dma source(%dma_start3A_22 : memref<200xi32, #tpu.memory_space<hbm>>) target(%arg12 : memref<200xi32, #tpu.memory_space<vmem>>) target_semaphore(%arg22 : memref<!tpu.dma_semaphore, #tpu.memory_space<semaphore_mem>>)
    %add3A_23 = arith.constant 400 : i32
    %add3A_24 = arith.addi %add3A, %add3A_23 : i32
    %dma_start3A_25 = tpu.memref_slice %arg3[%add3A_24] : memref<1638400xi32, #tpu.memory_space<hbm>> -> memref<200xi32, #tpu.memory_space<hbm>>
    %dma_start3A_26 = tpu.memref_slice %arg3[%add3A_24] : memref<1638400xi32, #tpu.memory_space<hbm>> -> memref<200xi32, #tpu.memory_space<hbm>>
    tpu.enqueue_dma source(%dma_start3A_26 : memref<200xi32, #tpu.memory_space<hbm>>) target(%arg9 : memref<200xi32, #tpu.memory_space<vmem>>) target_semaphore(%arg19 : memref<!tpu.dma_semaphore, #tpu.memory_space<semaphore_mem>>)
    %add3A_27 = arith.constant 400 : i32
    %add3A_28 = arith.addi %add3A, %add3A_27 : i32
    %dma_start3A_29 = tpu.memref_slice %arg4[%add3A_28] : memref<1638400xi32, #tpu.memory_space<hbm>> -> memref<200xi32, #tpu.memory_space<hbm>>
    %dma_start3A_30 = tpu.memref_slice %arg4[%add3A_28] : memref<1638400xi32, #tpu.memory_space<hbm>> -> memref<200xi32, #tpu.memory_space<hbm>>
    tpu.enqueue_dma source(%dma_start3A_30 : memref<200xi32, #tpu.memory_space<hbm>>) target(%arg13 : memref<200xi32, #tpu.memory_space<vmem>>) target_semaphore(%arg23 : memref<!tpu.dma_semaphore, #tpu.memory_space<semaphore_mem>>)
    %dma_wait3A = tpu.memref_slice %arg3[%add3A] : memref<1638400xi32, #tpu.memory_space<hbm>> -> memref<200xi32, #tpu.memory_space<hbm>>
    %dma_wait3A_31 = tpu.memref_slice %arg3[%add3A] : memref<1638400xi32, #tpu.memory_space<hbm>> -> memref<200xi32, #tpu.memory_space<hbm>>
    tpu.wait_dma2 semaphore(%arg17 : memref<!tpu.dma_semaphore, #tpu.memory_space<semaphore_mem>>) src(%dma_wait3A_31 : memref<200xi32, #tpu.memory_space<hbm>>) dst(%arg7 : memref<200xi32, #tpu.memory_space<vmem>>)
    %dma_start3A_32 = arith.constant 0 : i32
    %dma_start3A_33 = arith.constant 0 : i32
    %dma_start3A_34 = tpu.memref_slice %arg2[%dma_start3A_32, %dma_start3A_33] : memref<50176x64xf32, #tpu.memory_space<hbm>> -> memref<50176x64xf32, #tpu.memory_space<hbm>>
    tpu.enqueue_indirect_dma source(%dma_start3A_34 : memref<50176x64xf32, #tpu.memory_space<hbm>>) target(%arg15 : memref<200x64xf32, #tpu.memory_space<vmem>>) offsets(%arg7 : memref<200xi32, #tpu.memory_space<vmem>>) semaphore(%arg25 : memref<!tpu.dma_semaphore, #tpu.memory_space<semaphore_mem>>)
    %scan3A = arith.constant 0 : i32
    %scan3A_35 = arith.constant 64 : i32
    %scan3A_36 = arith.addi %scan3A, %scan3A_35 : i32
    %scan3A_37 = arith.constant 1 : i32
    scf.for %scan3A_46 = %scan3A to %scan3A_36 step %scan3A_37  : i32 {
      %mul3A_47 = arith.constant 4 : i32
      %mul3A_48 = arith.muli %scan3A_46, %mul3A_47 : i32
      %add3A_49 = arith.constant 0 : i32
      %add3A_50 = arith.addi %add3A_49, %mul3A_48 : i32
      %add3A_51 = arith.constant 0 : i32
      %add3A_52 = arith.addi %add3A_50, %add3A_51 : i32
      %dma_wait3A_53 = arith.constant 0 : i32
      %dma_wait3A_54 = arith.constant 0 : i32
      %dma_wait3A_55 = tpu.memref_slice %arg2[%dma_wait3A_53, %dma_wait3A_54] : memref<50176x64xf32, #tpu.memory_space<hbm>> -> memref<50176x64xf32, #tpu.memory_space<hbm>>
      tpu.wait_indirect_dma semaphore(%arg25 : memref<!tpu.dma_semaphore, #tpu.memory_space<semaphore_mem>>) src(%dma_wait3A_55 : memref<50176x64xf32, #tpu.memory_space<hbm>>) dst(%arg15 : memref<200x64xf32, #tpu.memory_space<vmem>>)
      %add3A_56 = arith.constant 1 : i32
      %add3A_57 = arith.addi %add3A_52, %add3A_56 : i32
      %lt3A = arith.constant 256 : i32
      %lt3A_58 = arith.cmpi slt, %add3A_57, %lt3A : i32
      %convert_element_type3A = arith.extui %lt3A_58 : i1 to i32
      %cond3A = arith.constant 0 : i32
      %cond3A_59 = arith.cmpi ne, %convert_element_type3A, %cond3A : i32
      scf.if %cond3A_59 {
        %dma_wait3A_191 = tpu.memref_slice %arg3[%add3A] : memref<1638400xi32, #tpu.memory_space<hbm>> -> memref<200xi32, #tpu.memory_space<hbm>>
        %dma_wait3A_192 = tpu.memref_slice %arg3[%add3A] : memref<1638400xi32, #tpu.memory_space<hbm>> -> memref<200xi32, #tpu.memory_space<hbm>>
        tpu.wait_dma2 semaphore(%arg18 : memref<!tpu.dma_semaphore, #tpu.memory_space<semaphore_mem>>) src(%dma_wait3A_192 : memref<200xi32, #tpu.memory_space<hbm>>) dst(%arg8 : memref<200xi32, #tpu.memory_space<vmem>>)
      } else {
      }
      %ge3A = arith.constant 1 : i32
      %ge3A_60 = arith.cmpi sge, %add3A_52, %ge3A : i32
      %convert_element_type3A_61 = arith.extui %ge3A_60 : i1 to i32
      %cond3A_62 = arith.constant 0 : i32
      %cond3A_63 = arith.cmpi ne, %convert_element_type3A_61, %cond3A_62 : i32
      scf.if %cond3A_63 {
        %dma_wait3A_191 = arith.constant 0 : i32
        %dma_wait3A_192 = arith.constant 0 : i32
        %dma_wait3A_193 = tpu.memref_slice %arg6[%dma_wait3A_191, %dma_wait3A_192] : memref<25088x64xf32, #tpu.memory_space<vmem_shared>> -> memref<25088x64xf32, #tpu.memory_space<vmem_shared>>
        tpu.wait_indirect_dma semaphore(%arg28 : memref<!tpu.dma_semaphore, #tpu.memory_space<semaphore_mem>>) src(%arg16 : memref<200x64xf32, #tpu.memory_space<vmem>>) dst(%dma_wait3A_193 : memref<25088x64xf32, #tpu.memory_space<vmem_shared>>)
      } else {
      }
      %add3A_64 = arith.constant 1 : i32
      %add3A_65 = arith.addi %add3A_52, %add3A_64 : i32
      %lt3A_66 = arith.constant 256 : i32
      %lt3A_67 = arith.cmpi slt, %add3A_65, %lt3A_66 : i32
      %convert_element_type3A_68 = arith.extui %lt3A_67 : i1 to i32
      %cond3A_69 = arith.constant 0 : i32
      %cond3A_70 = arith.cmpi ne, %convert_element_type3A_68, %cond3A_69 : i32
      scf.if %cond3A_70 {
        %dma_start3A_191 = arith.constant 0 : i32
        %dma_start3A_192 = arith.constant 0 : i32
        %dma_start3A_193 = tpu.memref_slice %arg2[%dma_start3A_191, %dma_start3A_192] : memref<50176x64xf32, #tpu.memory_space<hbm>> -> memref<50176x64xf32, #tpu.memory_space<hbm>>
        tpu.enqueue_indirect_dma source(%dma_start3A_193 : memref<50176x64xf32, #tpu.memory_space<hbm>>) target(%arg16 : memref<200x64xf32, #tpu.memory_space<vmem>>) offsets(%arg8 : memref<200xi32, #tpu.memory_space<vmem>>) semaphore(%arg26 : memref<!tpu.dma_semaphore, #tpu.memory_space<semaphore_mem>>)
      } else {
      }
      %dma_wait3A_71 = tpu.memref_slice %arg4[%add3A] : memref<1638400xi32, #tpu.memory_space<hbm>> -> memref<200xi32, #tpu.memory_space<hbm>>
      %dma_wait3A_72 = tpu.memref_slice %arg4[%add3A] : memref<1638400xi32, #tpu.memory_space<hbm>> -> memref<200xi32, #tpu.memory_space<hbm>>
      tpu.wait_dma2 semaphore(%arg21 : memref<!tpu.dma_semaphore, #tpu.memory_space<semaphore_mem>>) src(%dma_wait3A_72 : memref<200xi32, #tpu.memory_space<hbm>>) dst(%arg11 : memref<200xi32, #tpu.memory_space<vmem>>)
      %dma_start3A_73 = arith.constant 0 : i32
      %dma_start3A_74 = arith.constant 0 : i32
      %dma_start3A_75 = tpu.memref_slice %arg6[%dma_start3A_73, %dma_start3A_74] : memref<25088x64xf32, #tpu.memory_space<vmem_shared>> -> memref<25088x64xf32, #tpu.memory_space<vmem_shared>>
      tpu.enqueue_indirect_dma source(%arg15 : memref<200x64xf32, #tpu.memory_space<vmem>>) target(%dma_start3A_75 : memref<25088x64xf32, #tpu.memory_space<vmem_shared>>) offsets(%arg11 : memref<200xi32, #tpu.memory_space<vmem>>) semaphore(%arg27 : memref<!tpu.dma_semaphore, #tpu.memory_space<semaphore_mem>>) {add = true}
      %add3A_76 = arith.constant 3 : i32
      %add3A_77 = arith.addi %add3A_52, %add3A_76 : i32
      %lt3A_78 = arith.constant 256 : i32
      %lt3A_79 = arith.cmpi slt, %add3A_77, %lt3A_78 : i32
      %convert_element_type3A_80 = arith.extui %lt3A_79 : i1 to i32
      %cond3A_81 = arith.constant 0 : i32
      %cond3A_82 = arith.cmpi ne, %convert_element_type3A_80, %cond3A_81 : i32
      scf.if %cond3A_82 {
        %add3A_191 = arith.constant 3 : i32
        %add3A_192 = arith.addi %add3A_52, %add3A_191 : i32
        %mul3A_193 = arith.constant 200 : i32
        %mul3A_194 = arith.muli %add3A_192, %mul3A_193 : i32
        %add3A_195 = arith.addi %add3A, %mul3A_194 : i32
        %dma_start3A_196 = tpu.memref_slice %arg3[%add3A_195] : memref<1638400xi32, #tpu.memory_space<hbm>> -> memref<200xi32, #tpu.memory_space<hbm>>
        %dma_start3A_197 = tpu.memref_slice %arg3[%add3A_195] : memref<1638400xi32, #tpu.memory_space<hbm>> -> memref<200xi32, #tpu.memory_space<hbm>>
        tpu.enqueue_dma source(%dma_start3A_197 : memref<200xi32, #tpu.memory_space<hbm>>) target(%arg10 : memref<200xi32, #tpu.memory_space<vmem>>) target_semaphore(%arg20 : memref<!tpu.dma_semaphore, #tpu.memory_space<semaphore_mem>>)
        %mul3A_198 = arith.constant 200 : i32
        %mul3A_199 = arith.muli %add3A_192, %mul3A_198 : i32
        %add3A_200 = arith.addi %add3A, %mul3A_199 : i32
        %dma_start3A_201 = tpu.memref_slice %arg4[%add3A_200] : memref<1638400xi32, #tpu.memory_space<hbm>> -> memref<200xi32, #tpu.memory_space<hbm>>
        %dma_start3A_202 = tpu.memref_slice %arg4[%add3A_200] : memref<1638400xi32, #tpu.memory_space<hbm>> -> memref<200xi32, #tpu.memory_space<hbm>>
        tpu.enqueue_dma source(%dma_start3A_202 : memref<200xi32, #tpu.memory_space<hbm>>) target(%arg14 : memref<200xi32, #tpu.memory_space<vmem>>) target_semaphore(%arg24 : memref<!tpu.dma_semaphore, #tpu.memory_space<semaphore_mem>>)
      } else {
      }
      %add3A_83 = arith.constant 1 : i32
      %add3A_84 = arith.addi %add3A_50, %add3A_83 : i32
      %dma_wait3A_85 = arith.constant 0 : i32
      %dma_wait3A_86 = arith.constant 0 : i32
      %dma_wait3A_87 = tpu.memref_slice %arg2[%dma_wait3A_85, %dma_wait3A_86] : memref<50176x64xf32, #tpu.memory_space<hbm>> -> memref<50176x64xf32, #tpu.memory_space<hbm>>
      tpu.wait_indirect_dma semaphore(%arg26 : memref<!tpu.dma_semaphore, #tpu.memory_space<semaphore_mem>>) src(%dma_wait3A_87 : memref<50176x64xf32, #tpu.memory_space<hbm>>) dst(%arg16 : memref<200x64xf32, #tpu.memory_space<vmem>>)
      %add3A_88 = arith.constant 1 : i32
      %add3A_89 = arith.addi %add3A_84, %add3A_88 : i32
      %lt3A_90 = arith.constant 256 : i32
      %lt3A_91 = arith.cmpi slt, %add3A_89, %lt3A_90 : i32
      %convert_element_type3A_92 = arith.extui %lt3A_91 : i1 to i32
      %cond3A_93 = arith.constant 0 : i32
      %cond3A_94 = arith.cmpi ne, %convert_element_type3A_92, %cond3A_93 : i32
      scf.if %cond3A_94 {
        %dma_wait3A_191 = tpu.memref_slice %arg3[%add3A] : memref<1638400xi32, #tpu.memory_space<hbm>> -> memref<200xi32, #tpu.memory_space<hbm>>
        %dma_wait3A_192 = tpu.memref_slice %arg3[%add3A] : memref<1638400xi32, #tpu.memory_space<hbm>> -> memref<200xi32, #tpu.memory_space<hbm>>
        tpu.wait_dma2 semaphore(%arg19 : memref<!tpu.dma_semaphore, #tpu.memory_space<semaphore_mem>>) src(%dma_wait3A_192 : memref<200xi32, #tpu.memory_space<hbm>>) dst(%arg9 : memref<200xi32, #tpu.memory_space<vmem>>)
      } else {
      }
      %ge3A_95 = arith.constant 1 : i32
      %ge3A_96 = arith.cmpi sge, %add3A_84, %ge3A_95 : i32
      %convert_element_type3A_97 = arith.extui %ge3A_96 : i1 to i32
      %cond3A_98 = arith.constant 0 : i32
      %cond3A_99 = arith.cmpi ne, %convert_element_type3A_97, %cond3A_98 : i32
      scf.if %cond3A_99 {
        %dma_wait3A_191 = arith.constant 0 : i32
        %dma_wait3A_192 = arith.constant 0 : i32
        %dma_wait3A_193 = tpu.memref_slice %arg6[%dma_wait3A_191, %dma_wait3A_192] : memref<25088x64xf32, #tpu.memory_space<vmem_shared>> -> memref<25088x64xf32, #tpu.memory_space<vmem_shared>>
        tpu.wait_indirect_dma semaphore(%arg27 : memref<!tpu.dma_semaphore, #tpu.memory_space<semaphore_mem>>) src(%arg15 : memref<200x64xf32, #tpu.memory_space<vmem>>) dst(%dma_wait3A_193 : memref<25088x64xf32, #tpu.memory_space<vmem_shared>>)
      } else {
      }
      %add3A_100 = arith.constant 1 : i32
      %add3A_101 = arith.addi %add3A_84, %add3A_100 : i32
      %lt3A_102 = arith.constant 256 : i32
      %lt3A_103 = arith.cmpi slt, %add3A_101, %lt3A_102 : i32
      %convert_element_type3A_104 = arith.extui %lt3A_103 : i1 to i32
      %cond3A_105 = arith.constant 0 : i32
      %cond3A_106 = arith.cmpi ne, %convert_element_type3A_104, %cond3A_105 : i32
      scf.if %cond3A_106 {
        %dma_start3A_191 = arith.constant 0 : i32
        %dma_start3A_192 = arith.constant 0 : i32
        %dma_start3A_193 = tpu.memref_slice %arg2[%dma_start3A_191, %dma_start3A_192] : memref<50176x64xf32, #tpu.memory_space<hbm>> -> memref<50176x64xf32, #tpu.memory_space<hbm>>
        tpu.enqueue_indirect_dma source(%dma_start3A_193 : memref<50176x64xf32, #tpu.memory_space<hbm>>) target(%arg15 : memref<200x64xf32, #tpu.memory_space<vmem>>) offsets(%arg9 : memref<200xi32, #tpu.memory_space<vmem>>) semaphore(%arg25 : memref<!tpu.dma_semaphore, #tpu.memory_space<semaphore_mem>>)
      } else {
      }
      %dma_wait3A_107 = tpu.memref_slice %arg4[%add3A] : memref<1638400xi32, #tpu.memory_space<hbm>> -> memref<200xi32, #tpu.memory_space<hbm>>
      %dma_wait3A_108 = tpu.memref_slice %arg4[%add3A] : memref<1638400xi32, #tpu.memory_space<hbm>> -> memref<200xi32, #tpu.memory_space<hbm>>
      tpu.wait_dma2 semaphore(%arg22 : memref<!tpu.dma_semaphore, #tpu.memory_space<semaphore_mem>>) src(%dma_wait3A_108 : memref<200xi32, #tpu.memory_space<hbm>>) dst(%arg12 : memref<200xi32, #tpu.memory_space<vmem>>)
      %dma_start3A_109 = arith.constant 0 : i32
      %dma_start3A_110 = arith.constant 0 : i32
      %dma_start3A_111 = tpu.memref_slice %arg6[%dma_start3A_109, %dma_start3A_110] : memref<25088x64xf32, #tpu.memory_space<vmem_shared>> -> memref<25088x64xf32, #tpu.memory_space<vmem_shared>>
      tpu.enqueue_indirect_dma source(%arg16 : memref<200x64xf32, #tpu.memory_space<vmem>>) target(%dma_start3A_111 : memref<25088x64xf32, #tpu.memory_space<vmem_shared>>) offsets(%arg12 : memref<200xi32, #tpu.memory_space<vmem>>) semaphore(%arg28 : memref<!tpu.dma_semaphore, #tpu.memory_space<semaphore_mem>>) {add = true}
      %add3A_112 = arith.constant 3 : i32
      %add3A_113 = arith.addi %add3A_84, %add3A_112 : i32
      %lt3A_114 = arith.constant 256 : i32
      %lt3A_115 = arith.cmpi slt, %add3A_113, %lt3A_114 : i32
      %convert_element_type3A_116 = arith.extui %lt3A_115 : i1 to i32
      %cond3A_117 = arith.constant 0 : i32
      %cond3A_118 = arith.cmpi ne, %convert_element_type3A_116, %cond3A_117 : i32
      scf.if %cond3A_118 {
        %add3A_191 = arith.constant 3 : i32
        %add3A_192 = arith.addi %add3A_84, %add3A_191 : i32
        %mul3A_193 = arith.constant 200 : i32
        %mul3A_194 = arith.muli %add3A_192, %mul3A_193 : i32
        %add3A_195 = arith.addi %add3A, %mul3A_194 : i32
        %dma_start3A_196 = tpu.memref_slice %arg3[%add3A_195] : memref<1638400xi32, #tpu.memory_space<hbm>> -> memref<200xi32, #tpu.memory_space<hbm>>
        %dma_start3A_197 = tpu.memref_slice %arg3[%add3A_195] : memref<1638400xi32, #tpu.memory_space<hbm>> -> memref<200xi32, #tpu.memory_space<hbm>>
        tpu.enqueue_dma source(%dma_start3A_197 : memref<200xi32, #tpu.memory_space<hbm>>) target(%arg7 : memref<200xi32, #tpu.memory_space<vmem>>) target_semaphore(%arg17 : memref<!tpu.dma_semaphore, #tpu.memory_space<semaphore_mem>>)
        %mul3A_198 = arith.constant 200 : i32
        %mul3A_199 = arith.muli %add3A_192, %mul3A_198 : i32
        %add3A_200 = arith.addi %add3A, %mul3A_199 : i32
        %dma_start3A_201 = tpu.memref_slice %arg4[%add3A_200] : memref<1638400xi32, #tpu.memory_space<hbm>> -> memref<200xi32, #tpu.memory_space<hbm>>
        %dma_start3A_202 = tpu.memref_slice %arg4[%add3A_200] : memref<1638400xi32, #tpu.memory_space<hbm>> -> memref<200xi32, #tpu.memory_space<hbm>>
        tpu.enqueue_dma source(%dma_start3A_202 : memref<200xi32, #tpu.memory_space<hbm>>) target(%arg11 : memref<200xi32, #tpu.memory_space<vmem>>) target_semaphore(%arg21 : memref<!tpu.dma_semaphore, #tpu.memory_space<semaphore_mem>>)
      } else {
      }
      %add3A_119 = arith.constant 2 : i32
      %add3A_120 = arith.addi %add3A_50, %add3A_119 : i32
      %dma_wait3A_121 = arith.constant 0 : i32
      %dma_wait3A_122 = arith.constant 0 : i32
      %dma_wait3A_123 = tpu.memref_slice %arg2[%dma_wait3A_121, %dma_wait3A_122] : memref<50176x64xf32, #tpu.memory_space<hbm>> -> memref<50176x64xf32, #tpu.memory_space<hbm>>
      tpu.wait_indirect_dma semaphore(%arg25 : memref<!tpu.dma_semaphore, #tpu.memory_space<semaphore_mem>>) src(%dma_wait3A_123 : memref<50176x64xf32, #tpu.memory_space<hbm>>) dst(%arg15 : memref<200x64xf32, #tpu.memory_space<vmem>>)
      %add3A_124 = arith.constant 1 : i32
      %add3A_125 = arith.addi %add3A_120, %add3A_124 : i32
      %lt3A_126 = arith.constant 256 : i32
      %lt3A_127 = arith.cmpi slt, %add3A_125, %lt3A_126 : i32
      %convert_element_type3A_128 = arith.extui %lt3A_127 : i1 to i32
      %cond3A_129 = arith.constant 0 : i32
      %cond3A_130 = arith.cmpi ne, %convert_element_type3A_128, %cond3A_129 : i32
      scf.if %cond3A_130 {
        %dma_wait3A_191 = tpu.memref_slice %arg3[%add3A] : memref<1638400xi32, #tpu.memory_space<hbm>> -> memref<200xi32, #tpu.memory_space<hbm>>
        %dma_wait3A_192 = tpu.memref_slice %arg3[%add3A] : memref<1638400xi32, #tpu.memory_space<hbm>> -> memref<200xi32, #tpu.memory_space<hbm>>
        tpu.wait_dma2 semaphore(%arg20 : memref<!tpu.dma_semaphore, #tpu.memory_space<semaphore_mem>>) src(%dma_wait3A_192 : memref<200xi32, #tpu.memory_space<hbm>>) dst(%arg10 : memref<200xi32, #tpu.memory_space<vmem>>)
      } else {
      }
      %ge3A_131 = arith.constant 1 : i32
      %ge3A_132 = arith.cmpi sge, %add3A_120, %ge3A_131 : i32
      %convert_element_type3A_133 = arith.extui %ge3A_132 : i1 to i32
      %cond3A_134 = arith.constant 0 : i32
      %cond3A_135 = arith.cmpi ne, %convert_element_type3A_133, %cond3A_134 : i32
      scf.if %cond3A_135 {
        %dma_wait3A_191 = arith.constant 0 : i32
        %dma_wait3A_192 = arith.constant 0 : i32
        %dma_wait3A_193 = tpu.memref_slice %arg6[%dma_wait3A_191, %dma_wait3A_192] : memref<25088x64xf32, #tpu.memory_space<vmem_shared>> -> memref<25088x64xf32, #tpu.memory_space<vmem_shared>>
        tpu.wait_indirect_dma semaphore(%arg28 : memref<!tpu.dma_semaphore, #tpu.memory_space<semaphore_mem>>) src(%arg16 : memref<200x64xf32, #tpu.memory_space<vmem>>) dst(%dma_wait3A_193 : memref<25088x64xf32, #tpu.memory_space<vmem_shared>>)
      } else {
      }
      %add3A_136 = arith.constant 1 : i32
      %add3A_137 = arith.addi %add3A_120, %add3A_136 : i32
      %lt3A_138 = arith.constant 256 : i32
      %lt3A_139 = arith.cmpi slt, %add3A_137, %lt3A_138 : i32
      %convert_element_type3A_140 = arith.extui %lt3A_139 : i1 to i32
      %cond3A_141 = arith.constant 0 : i32
      %cond3A_142 = arith.cmpi ne, %convert_element_type3A_140, %cond3A_141 : i32
      scf.if %cond3A_142 {
        %dma_start3A_191 = arith.constant 0 : i32
        %dma_start3A_192 = arith.constant 0 : i32
        %dma_start3A_193 = tpu.memref_slice %arg2[%dma_start3A_191, %dma_start3A_192] : memref<50176x64xf32, #tpu.memory_space<hbm>> -> memref<50176x64xf32, #tpu.memory_space<hbm>>
        tpu.enqueue_indirect_dma source(%dma_start3A_193 : memref<50176x64xf32, #tpu.memory_space<hbm>>) target(%arg16 : memref<200x64xf32, #tpu.memory_space<vmem>>) offsets(%arg10 : memref<200xi32, #tpu.memory_space<vmem>>) semaphore(%arg26 : memref<!tpu.dma_semaphore, #tpu.memory_space<semaphore_mem>>)
      } else {
      }
      %dma_wait3A_143 = tpu.memref_slice %arg4[%add3A] : memref<1638400xi32, #tpu.memory_space<hbm>> -> memref<200xi32, #tpu.memory_space<hbm>>
      %dma_wait3A_144 = tpu.memref_slice %arg4[%add3A] : memref<1638400xi32, #tpu.memory_space<hbm>> -> memref<200xi32, #tpu.memory_space<hbm>>
      tpu.wait_dma2 semaphore(%arg23 : memref<!tpu.dma_semaphore, #tpu.memory_space<semaphore_mem>>) src(%dma_wait3A_144 : memref<200xi32, #tpu.memory_space<hbm>>) dst(%arg13 : memref<200xi32, #tpu.memory_space<vmem>>)
      %dma_start3A_145 = arith.constant 0 : i32
      %dma_start3A_146 = arith.constant 0 : i32
      %dma_start3A_147 = tpu.memref_slice %arg6[%dma_start3A_145, %dma_start3A_146] : memref<25088x64xf32, #tpu.memory_space<vmem_shared>> -> memref<25088x64xf32, #tpu.memory_space<vmem_shared>>
      tpu.enqueue_indirect_dma source(%arg15 : memref<200x64xf32, #tpu.memory_space<vmem>>) target(%dma_start3A_147 : memref<25088x64xf32, #tpu.memory_space<vmem_shared>>) offsets(%arg13 : memref<200xi32, #tpu.memory_space<vmem>>) semaphore(%arg27 : memref<!tpu.dma_semaphore, #tpu.memory_space<semaphore_mem>>) {add = true}
      %add3A_148 = arith.constant 3 : i32
      %add3A_149 = arith.addi %add3A_120, %add3A_148 : i32
      %lt3A_150 = arith.constant 256 : i32
      %lt3A_151 = arith.cmpi slt, %add3A_149, %lt3A_150 : i32
      %convert_element_type3A_152 = arith.extui %lt3A_151 : i1 to i32
      %cond3A_153 = arith.constant 0 : i32
      %cond3A_154 = arith.cmpi ne, %convert_element_type3A_152, %cond3A_153 : i32
      scf.if %cond3A_154 {
        %add3A_191 = arith.constant 3 : i32
        %add3A_192 = arith.addi %add3A_120, %add3A_191 : i32
        %mul3A_193 = arith.constant 200 : i32
        %mul3A_194 = arith.muli %add3A_192, %mul3A_193 : i32
        %add3A_195 = arith.addi %add3A, %mul3A_194 : i32
        %dma_start3A_196 = tpu.memref_slice %arg3[%add3A_195] : memref<1638400xi32, #tpu.memory_space<hbm>> -> memref<200xi32, #tpu.memory_space<hbm>>
        %dma_start3A_197 = tpu.memref_slice %arg3[%add3A_195] : memref<1638400xi32, #tpu.memory_space<hbm>> -> memref<200xi32, #tpu.memory_space<hbm>>
        tpu.enqueue_dma source(%dma_start3A_197 : memref<200xi32, #tpu.memory_space<hbm>>) target(%arg8 : memref<200xi32, #tpu.memory_space<vmem>>) target_semaphore(%arg18 : memref<!tpu.dma_semaphore, #tpu.memory_space<semaphore_mem>>)
        %mul3A_198 = arith.constant 200 : i32
        %mul3A_199 = arith.muli %add3A_192, %mul3A_198 : i32
        %add3A_200 = arith.addi %add3A, %mul3A_199 : i32
        %dma_start3A_201 = tpu.memref_slice %arg4[%add3A_200] : memref<1638400xi32, #tpu.memory_space<hbm>> -> memref<200xi32, #tpu.memory_space<hbm>>
        %dma_start3A_202 = tpu.memref_slice %arg4[%add3A_200] : memref<1638400xi32, #tpu.memory_space<hbm>> -> memref<200xi32, #tpu.memory_space<hbm>>
        tpu.enqueue_dma source(%dma_start3A_202 : memref<200xi32, #tpu.memory_space<hbm>>) target(%arg12 : memref<200xi32, #tpu.memory_space<vmem>>) target_semaphore(%arg22 : memref<!tpu.dma_semaphore, #tpu.memory_space<semaphore_mem>>)
      } else {
      }
      %add3A_155 = arith.constant 3 : i32
      %add3A_156 = arith.addi %add3A_50, %add3A_155 : i32
      %dma_wait3A_157 = arith.constant 0 : i32
      %dma_wait3A_158 = arith.constant 0 : i32
      %dma_wait3A_159 = tpu.memref_slice %arg2[%dma_wait3A_157, %dma_wait3A_158] : memref<50176x64xf32, #tpu.memory_space<hbm>> -> memref<50176x64xf32, #tpu.memory_space<hbm>>
      tpu.wait_indirect_dma semaphore(%arg26 : memref<!tpu.dma_semaphore, #tpu.memory_space<semaphore_mem>>) src(%dma_wait3A_159 : memref<50176x64xf32, #tpu.memory_space<hbm>>) dst(%arg16 : memref<200x64xf32, #tpu.memory_space<vmem>>)
      %add3A_160 = arith.constant 1 : i32
      %add3A_161 = arith.addi %add3A_156, %add3A_160 : i32
      %lt3A_162 = arith.constant 256 : i32
      %lt3A_163 = arith.cmpi slt, %add3A_161, %lt3A_162 : i32
      %convert_element_type3A_164 = arith.extui %lt3A_163 : i1 to i32
      %cond3A_165 = arith.constant 0 : i32
      %cond3A_166 = arith.cmpi ne, %convert_element_type3A_164, %cond3A_165 : i32
      scf.if %cond3A_166 {
        %dma_wait3A_191 = tpu.memref_slice %arg3[%add3A] : memref<1638400xi32, #tpu.memory_space<hbm>> -> memref<200xi32, #tpu.memory_space<hbm>>
        %dma_wait3A_192 = tpu.memref_slice %arg3[%add3A] : memref<1638400xi32, #tpu.memory_space<hbm>> -> memref<200xi32, #tpu.memory_space<hbm>>
        tpu.wait_dma2 semaphore(%arg17 : memref<!tpu.dma_semaphore, #tpu.memory_space<semaphore_mem>>) src(%dma_wait3A_192 : memref<200xi32, #tpu.memory_space<hbm>>) dst(%arg7 : memref<200xi32, #tpu.memory_space<vmem>>)
      } else {
      }
      %ge3A_167 = arith.constant 1 : i32
      %ge3A_168 = arith.cmpi sge, %add3A_156, %ge3A_167 : i32
      %convert_element_type3A_169 = arith.extui %ge3A_168 : i1 to i32
      %cond3A_170 = arith.constant 0 : i32
      %cond3A_171 = arith.cmpi ne, %convert_element_type3A_169, %cond3A_170 : i32
      scf.if %cond3A_171 {
        %dma_wait3A_191 = arith.constant 0 : i32
        %dma_wait3A_192 = arith.constant 0 : i32
        %dma_wait3A_193 = tpu.memref_slice %arg6[%dma_wait3A_191, %dma_wait3A_192] : memref<25088x64xf32, #tpu.memory_space<vmem_shared>> -> memref<25088x64xf32, #tpu.memory_space<vmem_shared>>
        tpu.wait_indirect_dma semaphore(%arg27 : memref<!tpu.dma_semaphore, #tpu.memory_space<semaphore_mem>>) src(%arg15 : memref<200x64xf32, #tpu.memory_space<vmem>>) dst(%dma_wait3A_193 : memref<25088x64xf32, #tpu.memory_space<vmem_shared>>)
      } else {
      }
      %add3A_172 = arith.constant 1 : i32
      %add3A_173 = arith.addi %add3A_156, %add3A_172 : i32
      %lt3A_174 = arith.constant 256 : i32
      %lt3A_175 = arith.cmpi slt, %add3A_173, %lt3A_174 : i32
      %convert_element_type3A_176 = arith.extui %lt3A_175 : i1 to i32
      %cond3A_177 = arith.constant 0 : i32
      %cond3A_178 = arith.cmpi ne, %convert_element_type3A_176, %cond3A_177 : i32
      scf.if %cond3A_178 {
        %dma_start3A_191 = arith.constant 0 : i32
        %dma_start3A_192 = arith.constant 0 : i32
        %dma_start3A_193 = tpu.memref_slice %arg2[%dma_start3A_191, %dma_start3A_192] : memref<50176x64xf32, #tpu.memory_space<hbm>> -> memref<50176x64xf32, #tpu.memory_space<hbm>>
        tpu.enqueue_indirect_dma source(%dma_start3A_193 : memref<50176x64xf32, #tpu.memory_space<hbm>>) target(%arg15 : memref<200x64xf32, #tpu.memory_space<vmem>>) offsets(%arg7 : memref<200xi32, #tpu.memory_space<vmem>>) semaphore(%arg25 : memref<!tpu.dma_semaphore, #tpu.memory_space<semaphore_mem>>)
      } else {
      }
      %dma_wait3A_179 = tpu.memref_slice %arg4[%add3A] : memref<1638400xi32, #tpu.memory_space<hbm>> -> memref<200xi32, #tpu.memory_space<hbm>>
      %dma_wait3A_180 = tpu.memref_slice %arg4[%add3A] : memref<1638400xi32, #tpu.memory_space<hbm>> -> memref<200xi32, #tpu.memory_space<hbm>>
      tpu.wait_dma2 semaphore(%arg24 : memref<!tpu.dma_semaphore, #tpu.memory_space<semaphore_mem>>) src(%dma_wait3A_180 : memref<200xi32, #tpu.memory_space<hbm>>) dst(%arg14 : memref<200xi32, #tpu.memory_space<vmem>>)
      %dma_start3A_181 = arith.constant 0 : i32
      %dma_start3A_182 = arith.constant 0 : i32
      %dma_start3A_183 = tpu.memref_slice %arg6[%dma_start3A_181, %dma_start3A_182] : memref<25088x64xf32, #tpu.memory_space<vmem_shared>> -> memref<25088x64xf32, #tpu.memory_space<vmem_shared>>
      tpu.enqueue_indirect_dma source(%arg16 : memref<200x64xf32, #tpu.memory_space<vmem>>) target(%dma_start3A_183 : memref<25088x64xf32, #tpu.memory_space<vmem_shared>>) offsets(%arg14 : memref<200xi32, #tpu.memory_space<vmem>>) semaphore(%arg28 : memref<!tpu.dma_semaphore, #tpu.memory_space<semaphore_mem>>) {add = true}
      %add3A_184 = arith.constant 3 : i32
      %add3A_185 = arith.addi %add3A_156, %add3A_184 : i32
      %lt3A_186 = arith.constant 256 : i32
      %lt3A_187 = arith.cmpi slt, %add3A_185, %lt3A_186 : i32
      %convert_element_type3A_188 = arith.extui %lt3A_187 : i1 to i32
      %cond3A_189 = arith.constant 0 : i32
      %cond3A_190 = arith.cmpi ne, %convert_element_type3A_188, %cond3A_189 : i32
      scf.if %cond3A_190 {
        %add3A_191 = arith.constant 3 : i32
        %add3A_192 = arith.addi %add3A_156, %add3A_191 : i32
        %mul3A_193 = arith.constant 200 : i32
        %mul3A_194 = arith.muli %add3A_192, %mul3A_193 : i32
        %add3A_195 = arith.addi %add3A, %mul3A_194 : i32
        %dma_start3A_196 = tpu.memref_slice %arg3[%add3A_195] : memref<1638400xi32, #tpu.memory_space<hbm>> -> memref<200xi32, #tpu.memory_space<hbm>>
        %dma_start3A_197 = tpu.memref_slice %arg3[%add3A_195] : memref<1638400xi32, #tpu.memory_space<hbm>> -> memref<200xi32, #tpu.memory_space<hbm>>
        tpu.enqueue_dma source(%dma_start3A_197 : memref<200xi32, #tpu.memory_space<hbm>>) target(%arg9 : memref<200xi32, #tpu.memory_space<vmem>>) target_semaphore(%arg19 : memref<!tpu.dma_semaphore, #tpu.memory_space<semaphore_mem>>)
        %mul3A_198 = arith.constant 200 : i32
        %mul3A_199 = arith.muli %add3A_192, %mul3A_198 : i32
        %add3A_200 = arith.addi %add3A, %mul3A_199 : i32
        %dma_start3A_201 = tpu.memref_slice %arg4[%add3A_200] : memref<1638400xi32, #tpu.memory_space<hbm>> -> memref<200xi32, #tpu.memory_space<hbm>>
        %dma_start3A_202 = tpu.memref_slice %arg4[%add3A_200] : memref<1638400xi32, #tpu.memory_space<hbm>> -> memref<200xi32, #tpu.memory_space<hbm>>
        tpu.enqueue_dma source(%dma_start3A_202 : memref<200xi32, #tpu.memory_space<hbm>>) target(%arg13 : memref<200xi32, #tpu.memory_space<vmem>>) target_semaphore(%arg23 : memref<!tpu.dma_semaphore, #tpu.memory_space<semaphore_mem>>)
      } else {
      }
    }
    %scan3A_38 = arith.constant 64 : i32
    %dma_wait3A_39 = arith.constant 0 : i32
    %dma_wait3A_40 = arith.constant 0 : i32
    %dma_wait3A_41 = tpu.memref_slice %arg6[%dma_wait3A_39, %dma_wait3A_40] : memref<25088x64xf32, #tpu.memory_space<vmem_shared>> -> memref<25088x64xf32, #tpu.memory_space<vmem_shared>>
    tpu.wait_indirect_dma semaphore(%arg28 : memref<!tpu.dma_semaphore, #tpu.memory_space<semaphore_mem>>) src(%arg16 : memref<200x64xf32, #tpu.memory_space<vmem>>) dst(%dma_wait3A_41 : memref<25088x64xf32, #tpu.memory_space<vmem_shared>>)
    %barrier3A_42 = arith.constant 0 : index
    tpu.barrier barrier_id(%barrier3A_42)
    %mul3A_43 = arith.constant 25088 : i32
    %mul3A_44 = arith.muli %arg0, %mul3A_43 : i32
    %add3A_45 = arith.addi %mul3A_44, %mul3A_4 : i32
    "tpu.region"() ({
      %run_scoped3A = tpu.sem_alloc : memref<!tpu.dma_semaphore, #tpu.memory_space<semaphore_mem>>
      %dma_start3A_46 = arith.constant 0 : i32
      %dma_start3A_47 = tpu.memref_slice %arg5[%add3A_45, %dma_start3A_46] : memref<50176x64xf32, #tpu.memory_space<hbm>> -> memref<1568x64xf32, #tpu.memory_space<hbm>>
      %dma_start3A_48 = arith.constant 0 : i32
      %dma_start3A_49 = tpu.memref_slice %arg6[%mul3A_4, %dma_start3A_48] : memref<25088x64xf32, #tpu.memory_space<vmem_shared>> -> memref<1568x64xf32, #tpu.memory_space<vmem_shared>>
      tpu.enqueue_dma source(%dma_start3A_49 : memref<1568x64xf32, #tpu.memory_space<vmem_shared>>) target(%dma_start3A_47 : memref<1568x64xf32, #tpu.memory_space<hbm>>) target_semaphore(%run_scoped3A : memref<!tpu.dma_semaphore, #tpu.memory_space<semaphore_mem>>)
      %dma_wait3A_50 = arith.constant 0 : i32
      %dma_wait3A_51 = tpu.memref_slice %arg5[%add3A_45, %dma_wait3A_50] : memref<50176x64xf32, #tpu.memory_space<hbm>> -> memref<1568x64xf32, #tpu.memory_space<hbm>>
      %dma_wait3A_52 = arith.constant 0 : i32
      %dma_wait3A_53 = tpu.memref_slice %arg6[%mul3A_4, %dma_wait3A_52] : memref<25088x64xf32, #tpu.memory_space<vmem_shared>> -> memref<1568x64xf32, #tpu.memory_space<vmem_shared>>
      tpu.wait_dma2 semaphore(%run_scoped3A : memref<!tpu.dma_semaphore, #tpu.memory_space<semaphore_mem>>) src(%dma_wait3A_53 : memref<1568x64xf32, #tpu.memory_space<vmem_shared>>) dst(%dma_wait3A_51 : memref<1568x64xf32, #tpu.memory_space<hbm>>)
      tpu.yield
    }) : () -> ()
    return
  }
}

#map = affine_map<(d0, d1) -> (0)>
#map1 = affine_map<(d0, d1) -> (0, 0)>
module attributes {stable_mosaic.version = 14 : i64} {
  func.func @_sc_deg_body(%arg0: i32, %arg1: i32, %arg2: memref<1638400xi32, #tpu.memory_space<hbm>>, %arg3: memref<25088x16xf32, #tpu.memory_space<hbm>>, %arg4: memref<50176x16xf32, #tpu.memory_space<hbm>>, %arg5: memref<25088x16xf32, #tpu.memory_space<vmem_shared>>, %arg6: memref<200x16xf32, #tpu.memory_space<vmem>>, %arg7: memref<200xi32, #tpu.memory_space<vmem>>, %arg8: memref<200xi32, #tpu.memory_space<vmem>>, %arg9: memref<200xi32, #tpu.memory_space<vmem>>, %arg10: memref<200xi32, #tpu.memory_space<vmem>>, %arg11: memref<!tpu.dma_semaphore, #tpu.memory_space<semaphore_mem>>, %arg12: memref<!tpu.dma_semaphore, #tpu.memory_space<semaphore_mem>>, %arg13: memref<!tpu.dma_semaphore, #tpu.memory_space<semaphore_mem>>, %arg14: memref<!tpu.dma_semaphore, #tpu.memory_space<semaphore_mem>>, %arg15: memref<!tpu.dma_semaphore, #tpu.memory_space<semaphore_mem>>, %arg16: memref<!tpu.dma_semaphore, #tpu.memory_space<semaphore_mem>>) attributes {dimension_semantics = [#tpu.dimension_semantics<core_parallel>, #tpu.dimension_semantics<subcore_parallel>], iteration_bounds = array<i64: 2, 16>, scalar_prefetch = 0 : i64, scratch_operands = 12 : i64, tpu.core_type = #tpu.core_type<sc_vector_subcore>, window_params = [{transform_indices = #map}, {transform_indices = #map1}, {transform_indices = #map1}]} {
    %mul3A = arith.constant 819200 : i32
    %mul3A_0 = arith.muli %arg0, %mul3A : i32
    %mul3A_1 = arith.constant 51200 : i32
    %mul3A_2 = arith.muli %arg1, %mul3A_1 : i32
    %add3A = arith.addi %mul3A_0, %mul3A_2 : i32
    %mul3A_3 = arith.constant 1568 : i32
    %mul3A_4 = arith.muli %arg1, %mul3A_3 : i32
    "tpu.region"() ({
      %run_scoped3A = tpu.sem_alloc : memref<!tpu.dma_semaphore, #tpu.memory_space<semaphore_mem>>
      %dma_start3A_23 = arith.constant 0 : i32
      %dma_start3A_24 = arith.constant 0 : i32
      %dma_start3A_25 = tpu.memref_slice %arg3[%dma_start3A_23, %dma_start3A_24] : memref<25088x16xf32, #tpu.memory_space<hbm>> -> memref<200x16xf32, #tpu.memory_space<hbm>>
      %dma_start3A_26 = arith.constant 0 : i32
      %dma_start3A_27 = arith.constant 0 : i32
      %dma_start3A_28 = tpu.memref_slice %arg3[%dma_start3A_26, %dma_start3A_27] : memref<25088x16xf32, #tpu.memory_space<hbm>> -> memref<200x16xf32, #tpu.memory_space<hbm>>
      tpu.enqueue_dma source(%dma_start3A_28 : memref<200x16xf32, #tpu.memory_space<hbm>>) target(%arg6 : memref<200x16xf32, #tpu.memory_space<vmem>>) target_semaphore(%run_scoped3A : memref<!tpu.dma_semaphore, #tpu.memory_space<semaphore_mem>>)
      %dma_wait3A_29 = arith.constant 0 : i32
      %dma_wait3A_30 = arith.constant 0 : i32
      %dma_wait3A_31 = tpu.memref_slice %arg3[%dma_wait3A_29, %dma_wait3A_30] : memref<25088x16xf32, #tpu.memory_space<hbm>> -> memref<200x16xf32, #tpu.memory_space<hbm>>
      %dma_wait3A_32 = arith.constant 0 : i32
      %dma_wait3A_33 = arith.constant 0 : i32
      %dma_wait3A_34 = tpu.memref_slice %arg3[%dma_wait3A_32, %dma_wait3A_33] : memref<25088x16xf32, #tpu.memory_space<hbm>> -> memref<200x16xf32, #tpu.memory_space<hbm>>
      tpu.wait_dma2 semaphore(%run_scoped3A : memref<!tpu.dma_semaphore, #tpu.memory_space<semaphore_mem>>) src(%dma_wait3A_34 : memref<200x16xf32, #tpu.memory_space<hbm>>) dst(%arg6 : memref<200x16xf32, #tpu.memory_space<vmem>>)
      tpu.yield
    }) : () -> ()
    "tpu.region"() ({
      %run_scoped3A = tpu.sem_alloc : memref<!tpu.dma_semaphore, #tpu.memory_space<semaphore_mem>>
      %dma_start3A_23 = arith.constant 0 : i32
      %dma_start3A_24 = tpu.memref_slice %arg5[%mul3A_4, %dma_start3A_23] : memref<25088x16xf32, #tpu.memory_space<vmem_shared>> -> memref<1568x16xf32, #tpu.memory_space<vmem_shared>>
      %dma_start3A_25 = arith.constant 0 : i32
      %dma_start3A_26 = tpu.memref_slice %arg3[%mul3A_4, %dma_start3A_25] : memref<25088x16xf32, #tpu.memory_space<hbm>> -> memref<1568x16xf32, #tpu.memory_space<hbm>>
      tpu.enqueue_dma source(%dma_start3A_26 : memref<1568x16xf32, #tpu.memory_space<hbm>>) target(%dma_start3A_24 : memref<1568x16xf32, #tpu.memory_space<vmem_shared>>) target_semaphore(%run_scoped3A : memref<!tpu.dma_semaphore, #tpu.memory_space<semaphore_mem>>)
      %dma_wait3A_27 = arith.constant 0 : i32
      %dma_wait3A_28 = tpu.memref_slice %arg5[%mul3A_4, %dma_wait3A_27] : memref<25088x16xf32, #tpu.memory_space<vmem_shared>> -> memref<1568x16xf32, #tpu.memory_space<vmem_shared>>
      %dma_wait3A_29 = arith.constant 0 : i32
      %dma_wait3A_30 = tpu.memref_slice %arg3[%mul3A_4, %dma_wait3A_29] : memref<25088x16xf32, #tpu.memory_space<hbm>> -> memref<1568x16xf32, #tpu.memory_space<hbm>>
      tpu.wait_dma2 semaphore(%run_scoped3A : memref<!tpu.dma_semaphore, #tpu.memory_space<semaphore_mem>>) src(%dma_wait3A_30 : memref<1568x16xf32, #tpu.memory_space<hbm>>) dst(%dma_wait3A_28 : memref<1568x16xf32, #tpu.memory_space<vmem_shared>>)
      tpu.yield
    }) : () -> ()
    %barrier3A = arith.constant 0 : index
    tpu.barrier barrier_id(%barrier3A)
    %dma_start3A = tpu.memref_slice %arg2[%add3A] : memref<1638400xi32, #tpu.memory_space<hbm>> -> memref<200xi32, #tpu.memory_space<hbm>>
    %dma_start3A_5 = tpu.memref_slice %arg2[%add3A] : memref<1638400xi32, #tpu.memory_space<hbm>> -> memref<200xi32, #tpu.memory_space<hbm>>
    tpu.enqueue_dma source(%dma_start3A_5 : memref<200xi32, #tpu.memory_space<hbm>>) target(%arg7 : memref<200xi32, #tpu.memory_space<vmem>>) target_semaphore(%arg11 : memref<!tpu.dma_semaphore, #tpu.memory_space<semaphore_mem>>)
    %add3A_6 = arith.constant 200 : i32
    %add3A_7 = arith.addi %add3A, %add3A_6 : i32
    %dma_start3A_8 = tpu.memref_slice %arg2[%add3A_7] : memref<1638400xi32, #tpu.memory_space<hbm>> -> memref<200xi32, #tpu.memory_space<hbm>>
    %dma_start3A_9 = tpu.memref_slice %arg2[%add3A_7] : memref<1638400xi32, #tpu.memory_space<hbm>> -> memref<200xi32, #tpu.memory_space<hbm>>
    tpu.enqueue_dma source(%dma_start3A_9 : memref<200xi32, #tpu.memory_space<hbm>>) target(%arg8 : memref<200xi32, #tpu.memory_space<vmem>>) target_semaphore(%arg12 : memref<!tpu.dma_semaphore, #tpu.memory_space<semaphore_mem>>)
    %scan3A = arith.constant 0 : i32
    %scan3A_10 = arith.constant 64 : i32
    %scan3A_11 = arith.addi %scan3A, %scan3A_10 : i32
    %scan3A_12 = arith.constant 1 : i32
    scf.for %scan3A_23 = %scan3A to %scan3A_11 step %scan3A_12  : i32 {
      %mul3A_24 = arith.constant 4 : i32
      %mul3A_25 = arith.muli %scan3A_23, %mul3A_24 : i32
      %add3A_26 = arith.constant 0 : i32
      %add3A_27 = arith.addi %add3A_26, %mul3A_25 : i32
      %add3A_28 = arith.constant 0 : i32
      %add3A_29 = arith.addi %add3A_27, %add3A_28 : i32
      %dma_wait3A_30 = tpu.memref_slice %arg2[%add3A] : memref<1638400xi32, #tpu.memory_space<hbm>> -> memref<200xi32, #tpu.memory_space<hbm>>
      %dma_wait3A_31 = tpu.memref_slice %arg2[%add3A] : memref<1638400xi32, #tpu.memory_space<hbm>> -> memref<200xi32, #tpu.memory_space<hbm>>
      tpu.wait_dma2 semaphore(%arg11 : memref<!tpu.dma_semaphore, #tpu.memory_space<semaphore_mem>>) src(%dma_wait3A_31 : memref<200xi32, #tpu.memory_space<hbm>>) dst(%arg7 : memref<200xi32, #tpu.memory_space<vmem>>)
      %ge3A = arith.constant 2 : i32
      %ge3A_32 = arith.cmpi sge, %add3A_29, %ge3A : i32
      %convert_element_type3A = arith.extui %ge3A_32 : i1 to i32
      %cond3A = arith.constant 0 : i32
      %cond3A_33 = arith.cmpi ne, %convert_element_type3A, %cond3A : i32
      scf.if %cond3A_33 {
        %dma_wait3A_100 = arith.constant 0 : i32
        %dma_wait3A_101 = arith.constant 0 : i32
        %dma_wait3A_102 = tpu.memref_slice %arg5[%dma_wait3A_100, %dma_wait3A_101] : memref<25088x16xf32, #tpu.memory_space<vmem_shared>> -> memref<25088x16xf32, #tpu.memory_space<vmem_shared>>
        tpu.wait_indirect_dma semaphore(%arg15 : memref<!tpu.dma_semaphore, #tpu.memory_space<semaphore_mem>>) src(%arg6 : memref<200x16xf32, #tpu.memory_space<vmem>>) dst(%dma_wait3A_102 : memref<25088x16xf32, #tpu.memory_space<vmem_shared>>)
      } else {
      }
      %dma_start3A_34 = arith.constant 0 : i32
      %dma_start3A_35 = arith.constant 0 : i32
      %dma_start3A_36 = tpu.memref_slice %arg5[%dma_start3A_34, %dma_start3A_35] : memref<25088x16xf32, #tpu.memory_space<vmem_shared>> -> memref<25088x16xf32, #tpu.memory_space<vmem_shared>>
      tpu.enqueue_indirect_dma source(%arg6 : memref<200x16xf32, #tpu.memory_space<vmem>>) target(%dma_start3A_36 : memref<25088x16xf32, #tpu.memory_space<vmem_shared>>) offsets(%arg7 : memref<200xi32, #tpu.memory_space<vmem>>) semaphore(%arg15 : memref<!tpu.dma_semaphore, #tpu.memory_space<semaphore_mem>>) {add = true}
      %add3A_37 = arith.constant 2 : i32
      %add3A_38 = arith.addi %add3A_29, %add3A_37 : i32
      %lt3A = arith.constant 256 : i32
      %lt3A_39 = arith.cmpi slt, %add3A_38, %lt3A : i32
      %convert_element_type3A_40 = arith.extui %lt3A_39 : i1 to i32
      %cond3A_41 = arith.constant 0 : i32
      %cond3A_42 = arith.cmpi ne, %convert_element_type3A_40, %cond3A_41 : i32
      scf.if %cond3A_42 {
        %add3A_100 = arith.constant 2 : i32
        %add3A_101 = arith.addi %add3A_29, %add3A_100 : i32
        %mul3A_102 = arith.constant 200 : i32
        %mul3A_103 = arith.muli %add3A_101, %mul3A_102 : i32
        %add3A_104 = arith.addi %add3A, %mul3A_103 : i32
        %dma_start3A_105 = tpu.memref_slice %arg2[%add3A_104] : memref<1638400xi32, #tpu.memory_space<hbm>> -> memref<200xi32, #tpu.memory_space<hbm>>
        %dma_start3A_106 = tpu.memref_slice %arg2[%add3A_104] : memref<1638400xi32, #tpu.memory_space<hbm>> -> memref<200xi32, #tpu.memory_space<hbm>>
        tpu.enqueue_dma source(%dma_start3A_106 : memref<200xi32, #tpu.memory_space<hbm>>) target(%arg9 : memref<200xi32, #tpu.memory_space<vmem>>) target_semaphore(%arg13 : memref<!tpu.dma_semaphore, #tpu.memory_space<semaphore_mem>>)
      } else {
      }
      %add3A_43 = arith.constant 1 : i32
      %add3A_44 = arith.addi %add3A_27, %add3A_43 : i32
      %dma_wait3A_45 = tpu.memref_slice %arg2[%add3A] : memref<1638400xi32, #tpu.memory_space<hbm>> -> memref<200xi32, #tpu.memory_space<hbm>>
      %dma_wait3A_46 = tpu.memref_slice %arg2[%add3A] : memref<1638400xi32, #tpu.memory_space<hbm>> -> memref<200xi32, #tpu.memory_space<hbm>>
      tpu.wait_dma2 semaphore(%arg12 : memref<!tpu.dma_semaphore, #tpu.memory_space<semaphore_mem>>) src(%dma_wait3A_46 : memref<200xi32, #tpu.memory_space<hbm>>) dst(%arg8 : memref<200xi32, #tpu.memory_space<vmem>>)
      %ge3A_47 = arith.constant 2 : i32
      %ge3A_48 = arith.cmpi sge, %add3A_44, %ge3A_47 : i32
      %convert_element_type3A_49 = arith.extui %ge3A_48 : i1 to i32
      %cond3A_50 = arith.constant 0 : i32
      %cond3A_51 = arith.cmpi ne, %convert_element_type3A_49, %cond3A_50 : i32
      scf.if %cond3A_51 {
        %dma_wait3A_100 = arith.constant 0 : i32
        %dma_wait3A_101 = arith.constant 0 : i32
        %dma_wait3A_102 = tpu.memref_slice %arg5[%dma_wait3A_100, %dma_wait3A_101] : memref<25088x16xf32, #tpu.memory_space<vmem_shared>> -> memref<25088x16xf32, #tpu.memory_space<vmem_shared>>
        tpu.wait_indirect_dma semaphore(%arg16 : memref<!tpu.dma_semaphore, #tpu.memory_space<semaphore_mem>>) src(%arg6 : memref<200x16xf32, #tpu.memory_space<vmem>>) dst(%dma_wait3A_102 : memref<25088x16xf32, #tpu.memory_space<vmem_shared>>)
      } else {
      }
      %dma_start3A_52 = arith.constant 0 : i32
      %dma_start3A_53 = arith.constant 0 : i32
      %dma_start3A_54 = tpu.memref_slice %arg5[%dma_start3A_52, %dma_start3A_53] : memref<25088x16xf32, #tpu.memory_space<vmem_shared>> -> memref<25088x16xf32, #tpu.memory_space<vmem_shared>>
      tpu.enqueue_indirect_dma source(%arg6 : memref<200x16xf32, #tpu.memory_space<vmem>>) target(%dma_start3A_54 : memref<25088x16xf32, #tpu.memory_space<vmem_shared>>) offsets(%arg8 : memref<200xi32, #tpu.memory_space<vmem>>) semaphore(%arg16 : memref<!tpu.dma_semaphore, #tpu.memory_space<semaphore_mem>>) {add = true}
      %add3A_55 = arith.constant 2 : i32
      %add3A_56 = arith.addi %add3A_44, %add3A_55 : i32
      %lt3A_57 = arith.constant 256 : i32
      %lt3A_58 = arith.cmpi slt, %add3A_56, %lt3A_57 : i32
      %convert_element_type3A_59 = arith.extui %lt3A_58 : i1 to i32
      %cond3A_60 = arith.constant 0 : i32
      %cond3A_61 = arith.cmpi ne, %convert_element_type3A_59, %cond3A_60 : i32
      scf.if %cond3A_61 {
        %add3A_100 = arith.constant 2 : i32
        %add3A_101 = arith.addi %add3A_44, %add3A_100 : i32
        %mul3A_102 = arith.constant 200 : i32
        %mul3A_103 = arith.muli %add3A_101, %mul3A_102 : i32
        %add3A_104 = arith.addi %add3A, %mul3A_103 : i32
        %dma_start3A_105 = tpu.memref_slice %arg2[%add3A_104] : memref<1638400xi32, #tpu.memory_space<hbm>> -> memref<200xi32, #tpu.memory_space<hbm>>
        %dma_start3A_106 = tpu.memref_slice %arg2[%add3A_104] : memref<1638400xi32, #tpu.memory_space<hbm>> -> memref<200xi32, #tpu.memory_space<hbm>>
        tpu.enqueue_dma source(%dma_start3A_106 : memref<200xi32, #tpu.memory_space<hbm>>) target(%arg10 : memref<200xi32, #tpu.memory_space<vmem>>) target_semaphore(%arg14 : memref<!tpu.dma_semaphore, #tpu.memory_space<semaphore_mem>>)
      } else {
      }
      %add3A_62 = arith.constant 2 : i32
      %add3A_63 = arith.addi %add3A_27, %add3A_62 : i32
      %dma_wait3A_64 = tpu.memref_slice %arg2[%add3A] : memref<1638400xi32, #tpu.memory_space<hbm>> -> memref<200xi32, #tpu.memory_space<hbm>>
      %dma_wait3A_65 = tpu.memref_slice %arg2[%add3A] : memref<1638400xi32, #tpu.memory_space<hbm>> -> memref<200xi32, #tpu.memory_space<hbm>>
      tpu.wait_dma2 semaphore(%arg13 : memref<!tpu.dma_semaphore, #tpu.memory_space<semaphore_mem>>) src(%dma_wait3A_65 : memref<200xi32, #tpu.memory_space<hbm>>) dst(%arg9 : memref<200xi32, #tpu.memory_space<vmem>>)
      %ge3A_66 = arith.constant 2 : i32
      %ge3A_67 = arith.cmpi sge, %add3A_63, %ge3A_66 : i32
      %convert_element_type3A_68 = arith.extui %ge3A_67 : i1 to i32
      %cond3A_69 = arith.constant 0 : i32
      %cond3A_70 = arith.cmpi ne, %convert_element_type3A_68, %cond3A_69 : i32
      scf.if %cond3A_70 {
        %dma_wait3A_100 = arith.constant 0 : i32
        %dma_wait3A_101 = arith.constant 0 : i32
        %dma_wait3A_102 = tpu.memref_slice %arg5[%dma_wait3A_100, %dma_wait3A_101] : memref<25088x16xf32, #tpu.memory_space<vmem_shared>> -> memref<25088x16xf32, #tpu.memory_space<vmem_shared>>
        tpu.wait_indirect_dma semaphore(%arg15 : memref<!tpu.dma_semaphore, #tpu.memory_space<semaphore_mem>>) src(%arg6 : memref<200x16xf32, #tpu.memory_space<vmem>>) dst(%dma_wait3A_102 : memref<25088x16xf32, #tpu.memory_space<vmem_shared>>)
      } else {
      }
      %dma_start3A_71 = arith.constant 0 : i32
      %dma_start3A_72 = arith.constant 0 : i32
      %dma_start3A_73 = tpu.memref_slice %arg5[%dma_start3A_71, %dma_start3A_72] : memref<25088x16xf32, #tpu.memory_space<vmem_shared>> -> memref<25088x16xf32, #tpu.memory_space<vmem_shared>>
      tpu.enqueue_indirect_dma source(%arg6 : memref<200x16xf32, #tpu.memory_space<vmem>>) target(%dma_start3A_73 : memref<25088x16xf32, #tpu.memory_space<vmem_shared>>) offsets(%arg9 : memref<200xi32, #tpu.memory_space<vmem>>) semaphore(%arg15 : memref<!tpu.dma_semaphore, #tpu.memory_space<semaphore_mem>>) {add = true}
      %add3A_74 = arith.constant 2 : i32
      %add3A_75 = arith.addi %add3A_63, %add3A_74 : i32
      %lt3A_76 = arith.constant 256 : i32
      %lt3A_77 = arith.cmpi slt, %add3A_75, %lt3A_76 : i32
      %convert_element_type3A_78 = arith.extui %lt3A_77 : i1 to i32
      %cond3A_79 = arith.constant 0 : i32
      %cond3A_80 = arith.cmpi ne, %convert_element_type3A_78, %cond3A_79 : i32
      scf.if %cond3A_80 {
        %add3A_100 = arith.constant 2 : i32
        %add3A_101 = arith.addi %add3A_63, %add3A_100 : i32
        %mul3A_102 = arith.constant 200 : i32
        %mul3A_103 = arith.muli %add3A_101, %mul3A_102 : i32
        %add3A_104 = arith.addi %add3A, %mul3A_103 : i32
        %dma_start3A_105 = tpu.memref_slice %arg2[%add3A_104] : memref<1638400xi32, #tpu.memory_space<hbm>> -> memref<200xi32, #tpu.memory_space<hbm>>
        %dma_start3A_106 = tpu.memref_slice %arg2[%add3A_104] : memref<1638400xi32, #tpu.memory_space<hbm>> -> memref<200xi32, #tpu.memory_space<hbm>>
        tpu.enqueue_dma source(%dma_start3A_106 : memref<200xi32, #tpu.memory_space<hbm>>) target(%arg7 : memref<200xi32, #tpu.memory_space<vmem>>) target_semaphore(%arg11 : memref<!tpu.dma_semaphore, #tpu.memory_space<semaphore_mem>>)
      } else {
      }
      %add3A_81 = arith.constant 3 : i32
      %add3A_82 = arith.addi %add3A_27, %add3A_81 : i32
      %dma_wait3A_83 = tpu.memref_slice %arg2[%add3A] : memref<1638400xi32, #tpu.memory_space<hbm>> -> memref<200xi32, #tpu.memory_space<hbm>>
      %dma_wait3A_84 = tpu.memref_slice %arg2[%add3A] : memref<1638400xi32, #tpu.memory_space<hbm>> -> memref<200xi32, #tpu.memory_space<hbm>>
      tpu.wait_dma2 semaphore(%arg14 : memref<!tpu.dma_semaphore, #tpu.memory_space<semaphore_mem>>) src(%dma_wait3A_84 : memref<200xi32, #tpu.memory_space<hbm>>) dst(%arg10 : memref<200xi32, #tpu.memory_space<vmem>>)
      %ge3A_85 = arith.constant 2 : i32
      %ge3A_86 = arith.cmpi sge, %add3A_82, %ge3A_85 : i32
      %convert_element_type3A_87 = arith.extui %ge3A_86 : i1 to i32
      %cond3A_88 = arith.constant 0 : i32
      %cond3A_89 = arith.cmpi ne, %convert_element_type3A_87, %cond3A_88 : i32
      scf.if %cond3A_89 {
        %dma_wait3A_100 = arith.constant 0 : i32
        %dma_wait3A_101 = arith.constant 0 : i32
        %dma_wait3A_102 = tpu.memref_slice %arg5[%dma_wait3A_100, %dma_wait3A_101] : memref<25088x16xf32, #tpu.memory_space<vmem_shared>> -> memref<25088x16xf32, #tpu.memory_space<vmem_shared>>
        tpu.wait_indirect_dma semaphore(%arg16 : memref<!tpu.dma_semaphore, #tpu.memory_space<semaphore_mem>>) src(%arg6 : memref<200x16xf32, #tpu.memory_space<vmem>>) dst(%dma_wait3A_102 : memref<25088x16xf32, #tpu.memory_space<vmem_shared>>)
      } else {
      }
      %dma_start3A_90 = arith.constant 0 : i32
      %dma_start3A_91 = arith.constant 0 : i32
      %dma_start3A_92 = tpu.memref_slice %arg5[%dma_start3A_90, %dma_start3A_91] : memref<25088x16xf32, #tpu.memory_space<vmem_shared>> -> memref<25088x16xf32, #tpu.memory_space<vmem_shared>>
      tpu.enqueue_indirect_dma source(%arg6 : memref<200x16xf32, #tpu.memory_space<vmem>>) target(%dma_start3A_92 : memref<25088x16xf32, #tpu.memory_space<vmem_shared>>) offsets(%arg10 : memref<200xi32, #tpu.memory_space<vmem>>) semaphore(%arg16 : memref<!tpu.dma_semaphore, #tpu.memory_space<semaphore_mem>>) {add = true}
      %add3A_93 = arith.constant 2 : i32
      %add3A_94 = arith.addi %add3A_82, %add3A_93 : i32
      %lt3A_95 = arith.constant 256 : i32
      %lt3A_96 = arith.cmpi slt, %add3A_94, %lt3A_95 : i32
      %convert_element_type3A_97 = arith.extui %lt3A_96 : i1 to i32
      %cond3A_98 = arith.constant 0 : i32
      %cond3A_99 = arith.cmpi ne, %convert_element_type3A_97, %cond3A_98 : i32
      scf.if %cond3A_99 {
        %add3A_100 = arith.constant 2 : i32
        %add3A_101 = arith.addi %add3A_82, %add3A_100 : i32
        %mul3A_102 = arith.constant 200 : i32
        %mul3A_103 = arith.muli %add3A_101, %mul3A_102 : i32
        %add3A_104 = arith.addi %add3A, %mul3A_103 : i32
        %dma_start3A_105 = tpu.memref_slice %arg2[%add3A_104] : memref<1638400xi32, #tpu.memory_space<hbm>> -> memref<200xi32, #tpu.memory_space<hbm>>
        %dma_start3A_106 = tpu.memref_slice %arg2[%add3A_104] : memref<1638400xi32, #tpu.memory_space<hbm>> -> memref<200xi32, #tpu.memory_space<hbm>>
        tpu.enqueue_dma source(%dma_start3A_106 : memref<200xi32, #tpu.memory_space<hbm>>) target(%arg8 : memref<200xi32, #tpu.memory_space<vmem>>) target_semaphore(%arg12 : memref<!tpu.dma_semaphore, #tpu.memory_space<semaphore_mem>>)
      } else {
      }
    }
    %scan3A_13 = arith.constant 64 : i32
    %dma_wait3A = arith.constant 0 : i32
    %dma_wait3A_14 = arith.constant 0 : i32
    %dma_wait3A_15 = tpu.memref_slice %arg5[%dma_wait3A, %dma_wait3A_14] : memref<25088x16xf32, #tpu.memory_space<vmem_shared>> -> memref<25088x16xf32, #tpu.memory_space<vmem_shared>>
    tpu.wait_indirect_dma semaphore(%arg15 : memref<!tpu.dma_semaphore, #tpu.memory_space<semaphore_mem>>) src(%arg6 : memref<200x16xf32, #tpu.memory_space<vmem>>) dst(%dma_wait3A_15 : memref<25088x16xf32, #tpu.memory_space<vmem_shared>>)
    %dma_wait3A_16 = arith.constant 0 : i32
    %dma_wait3A_17 = arith.constant 0 : i32
    %dma_wait3A_18 = tpu.memref_slice %arg5[%dma_wait3A_16, %dma_wait3A_17] : memref<25088x16xf32, #tpu.memory_space<vmem_shared>> -> memref<25088x16xf32, #tpu.memory_space<vmem_shared>>
    tpu.wait_indirect_dma semaphore(%arg16 : memref<!tpu.dma_semaphore, #tpu.memory_space<semaphore_mem>>) src(%arg6 : memref<200x16xf32, #tpu.memory_space<vmem>>) dst(%dma_wait3A_18 : memref<25088x16xf32, #tpu.memory_space<vmem_shared>>)
    %barrier3A_19 = arith.constant 0 : index
    tpu.barrier barrier_id(%barrier3A_19)
    %mul3A_20 = arith.constant 25088 : i32
    %mul3A_21 = arith.muli %arg0, %mul3A_20 : i32
    %add3A_22 = arith.addi %mul3A_21, %mul3A_4 : i32
    "tpu.region"() ({
      %run_scoped3A = tpu.sem_alloc : memref<!tpu.dma_semaphore, #tpu.memory_space<semaphore_mem>>
      %dma_start3A_23 = arith.constant 0 : i32
      %dma_start3A_24 = tpu.memref_slice %arg4[%add3A_22, %dma_start3A_23] : memref<50176x16xf32, #tpu.memory_space<hbm>> -> memref<1568x16xf32, #tpu.memory_space<hbm>>
      %dma_start3A_25 = arith.constant 0 : i32
      %dma_start3A_26 = tpu.memref_slice %arg5[%mul3A_4, %dma_start3A_25] : memref<25088x16xf32, #tpu.memory_space<vmem_shared>> -> memref<1568x16xf32, #tpu.memory_space<vmem_shared>>
      tpu.enqueue_dma source(%dma_start3A_26 : memref<1568x16xf32, #tpu.memory_space<vmem_shared>>) target(%dma_start3A_24 : memref<1568x16xf32, #tpu.memory_space<hbm>>) target_semaphore(%run_scoped3A : memref<!tpu.dma_semaphore, #tpu.memory_space<semaphore_mem>>)
      %dma_wait3A_27 = arith.constant 0 : i32
      %dma_wait3A_28 = tpu.memref_slice %arg4[%add3A_22, %dma_wait3A_27] : memref<50176x16xf32, #tpu.memory_space<hbm>> -> memref<1568x16xf32, #tpu.memory_space<hbm>>
      %dma_wait3A_29 = arith.constant 0 : i32
      %dma_wait3A_30 = tpu.memref_slice %arg5[%mul3A_4, %dma_wait3A_29] : memref<25088x16xf32, #tpu.memory_space<vmem_shared>> -> memref<1568x16xf32, #tpu.memory_space<vmem_shared>>
      tpu.wait_dma2 semaphore(%run_scoped3A : memref<!tpu.dma_semaphore, #tpu.memory_space<semaphore_mem>>) src(%dma_wait3A_30 : memref<1568x16xf32, #tpu.memory_space<vmem_shared>>) dst(%dma_wait3A_28 : memref<1568x16xf32, #tpu.memory_space<hbm>>)
      tpu.yield
    }) : () -> ()
    return
  }
}

#map = affine_map<(d0, d1) -> (0, 0)>
#map1 = affine_map<(d0, d1) -> (0)>
module attributes {stable_mosaic.version = 14 : i64} {
  func.func @_sc_agg_body(%arg0: i32, %arg1: i32, %arg2: memref<50176x64xf32, #tpu.memory_space<hbm>>, %arg3: memref<1638400xi32, #tpu.memory_space<hbm>>, %arg4: memref<1638400xi32, #tpu.memory_space<hbm>>, %arg5: memref<50176x64xf32, #tpu.memory_space<hbm>>, %arg6: memref<25088x64xf32, #tpu.memory_space<vmem_shared>>, %arg7: memref<200xi32, #tpu.memory_space<vmem>>, %arg8: memref<200xi32, #tpu.memory_space<vmem>>, %arg9: memref<200xi32, #tpu.memory_space<vmem>>, %arg10: memref<200xi32, #tpu.memory_space<vmem>>, %arg11: memref<200xi32, #tpu.memory_space<vmem>>, %arg12: memref<200xi32, #tpu.memory_space<vmem>>, %arg13: memref<200xi32, #tpu.memory_space<vmem>>, %arg14: memref<200xi32, #tpu.memory_space<vmem>>, %arg15: memref<200x64xf32, #tpu.memory_space<vmem>>, %arg16: memref<200x64xf32, #tpu.memory_space<vmem>>, %arg17: memref<!tpu.dma_semaphore, #tpu.memory_space<semaphore_mem>>, %arg18: memref<!tpu.dma_semaphore, #tpu.memory_space<semaphore_mem>>, %arg19: memref<!tpu.dma_semaphore, #tpu.memory_space<semaphore_mem>>, %arg20: memref<!tpu.dma_semaphore, #tpu.memory_space<semaphore_mem>>, %arg21: memref<!tpu.dma_semaphore, #tpu.memory_space<semaphore_mem>>, %arg22: memref<!tpu.dma_semaphore, #tpu.memory_space<semaphore_mem>>, %arg23: memref<!tpu.dma_semaphore, #tpu.memory_space<semaphore_mem>>, %arg24: memref<!tpu.dma_semaphore, #tpu.memory_space<semaphore_mem>>, %arg25: memref<!tpu.dma_semaphore, #tpu.memory_space<semaphore_mem>>, %arg26: memref<!tpu.dma_semaphore, #tpu.memory_space<semaphore_mem>>, %arg27: memref<!tpu.dma_semaphore, #tpu.memory_space<semaphore_mem>>, %arg28: memref<!tpu.dma_semaphore, #tpu.memory_space<semaphore_mem>>) attributes {dimension_semantics = [#tpu.dimension_semantics<core_parallel>, #tpu.dimension_semantics<subcore_parallel>], iteration_bounds = array<i64: 2, 16>, scalar_prefetch = 0 : i64, scratch_operands = 23 : i64, tpu.core_type = #tpu.core_type<sc_vector_subcore>, window_params = [{transform_indices = #map}, {transform_indices = #map1}, {transform_indices = #map1}, {transform_indices = #map}]} {
    %mul3A = arith.constant 819200 : i32
    %mul3A_0 = arith.muli %arg0, %mul3A : i32
    %mul3A_1 = arith.constant 51200 : i32
    %mul3A_2 = arith.muli %arg1, %mul3A_1 : i32
    %add3A = arith.addi %mul3A_0, %mul3A_2 : i32
    %mul3A_3 = arith.constant 1568 : i32
    %mul3A_4 = arith.muli %arg1, %mul3A_3 : i32
    %mul3A_5 = arith.constant 25088 : i32
    %mul3A_6 = arith.muli %arg0, %mul3A_5 : i32
    %add3A_7 = arith.addi %mul3A_6, %mul3A_4 : i32
    "tpu.region"() ({
      %run_scoped3A = tpu.sem_alloc : memref<!tpu.dma_semaphore, #tpu.memory_space<semaphore_mem>>
      %dma_start3A_46 = arith.constant 0 : i32
      %dma_start3A_47 = tpu.memref_slice %arg6[%mul3A_4, %dma_start3A_46] : memref<25088x64xf32, #tpu.memory_space<vmem_shared>> -> memref<1568x64xf32, #tpu.memory_space<vmem_shared>>
      %dma_start3A_48 = arith.constant 0 : i32
      %dma_start3A_49 = tpu.memref_slice %arg2[%add3A_7, %dma_start3A_48] : memref<50176x64xf32, #tpu.memory_space<hbm>> -> memref<1568x64xf32, #tpu.memory_space<hbm>>
      tpu.enqueue_dma source(%dma_start3A_49 : memref<1568x64xf32, #tpu.memory_space<hbm>>) target(%dma_start3A_47 : memref<1568x64xf32, #tpu.memory_space<vmem_shared>>) target_semaphore(%run_scoped3A : memref<!tpu.dma_semaphore, #tpu.memory_space<semaphore_mem>>)
      %dma_wait3A_50 = arith.constant 0 : i32
      %dma_wait3A_51 = tpu.memref_slice %arg6[%mul3A_4, %dma_wait3A_50] : memref<25088x64xf32, #tpu.memory_space<vmem_shared>> -> memref<1568x64xf32, #tpu.memory_space<vmem_shared>>
      %dma_wait3A_52 = arith.constant 0 : i32
      %dma_wait3A_53 = tpu.memref_slice %arg2[%add3A_7, %dma_wait3A_52] : memref<50176x64xf32, #tpu.memory_space<hbm>> -> memref<1568x64xf32, #tpu.memory_space<hbm>>
      tpu.wait_dma2 semaphore(%run_scoped3A : memref<!tpu.dma_semaphore, #tpu.memory_space<semaphore_mem>>) src(%dma_wait3A_53 : memref<1568x64xf32, #tpu.memory_space<hbm>>) dst(%dma_wait3A_51 : memref<1568x64xf32, #tpu.memory_space<vmem_shared>>)
      tpu.yield
    }) : () -> ()
    %barrier3A = arith.constant 0 : index
    tpu.barrier barrier_id(%barrier3A)
    %add3A_8 = arith.constant 0 : i32
    %add3A_9 = arith.addi %add3A, %add3A_8 : i32
    %dma_start3A = tpu.memref_slice %arg3[%add3A_9] : memref<1638400xi32, #tpu.memory_space<hbm>> -> memref<200xi32, #tpu.memory_space<hbm>>
    %dma_start3A_10 = tpu.memref_slice %arg3[%add3A_9] : memref<1638400xi32, #tpu.memory_space<hbm>> -> memref<200xi32, #tpu.memory_space<hbm>>
    tpu.enqueue_dma source(%dma_start3A_10 : memref<200xi32, #tpu.memory_space<hbm>>) target(%arg7 : memref<200xi32, #tpu.memory_space<vmem>>) target_semaphore(%arg17 : memref<!tpu.dma_semaphore, #tpu.memory_space<semaphore_mem>>)
    %add3A_11 = arith.constant 0 : i32
    %add3A_12 = arith.addi %add3A, %add3A_11 : i32
    %dma_start3A_13 = tpu.memref_slice %arg4[%add3A_12] : memref<1638400xi32, #tpu.memory_space<hbm>> -> memref<200xi32, #tpu.memory_space<hbm>>
    %dma_start3A_14 = tpu.memref_slice %arg4[%add3A_12] : memref<1638400xi32, #tpu.memory_space<hbm>> -> memref<200xi32, #tpu.memory_space<hbm>>
    tpu.enqueue_dma source(%dma_start3A_14 : memref<200xi32, #tpu.memory_space<hbm>>) target(%arg11 : memref<200xi32, #tpu.memory_space<vmem>>) target_semaphore(%arg21 : memref<!tpu.dma_semaphore, #tpu.memory_space<semaphore_mem>>)
    %add3A_15 = arith.constant 200 : i32
    %add3A_16 = arith.addi %add3A, %add3A_15 : i32
    %dma_start3A_17 = tpu.memref_slice %arg3[%add3A_16] : memref<1638400xi32, #tpu.memory_space<hbm>> -> memref<200xi32, #tpu.memory_space<hbm>>
    %dma_start3A_18 = tpu.memref_slice %arg3[%add3A_16] : memref<1638400xi32, #tpu.memory_space<hbm>> -> memref<200xi32, #tpu.memory_space<hbm>>
    tpu.enqueue_dma source(%dma_start3A_18 : memref<200xi32, #tpu.memory_space<hbm>>) target(%arg8 : memref<200xi32, #tpu.memory_space<vmem>>) target_semaphore(%arg18 : memref<!tpu.dma_semaphore, #tpu.memory_space<semaphore_mem>>)
    %add3A_19 = arith.constant 200 : i32
    %add3A_20 = arith.addi %add3A, %add3A_19 : i32
    %dma_start3A_21 = tpu.memref_slice %arg4[%add3A_20] : memref<1638400xi32, #tpu.memory_space<hbm>> -> memref<200xi32, #tpu.memory_space<hbm>>
    %dma_start3A_22 = tpu.memref_slice %arg4[%add3A_20] : memref<1638400xi32, #tpu.memory_space<hbm>> -> memref<200xi32, #tpu.memory_space<hbm>>
    tpu.enqueue_dma source(%dma_start3A_22 : memref<200xi32, #tpu.memory_space<hbm>>) target(%arg12 : memref<200xi32, #tpu.memory_space<vmem>>) target_semaphore(%arg22 : memref<!tpu.dma_semaphore, #tpu.memory_space<semaphore_mem>>)
    %add3A_23 = arith.constant 400 : i32
    %add3A_24 = arith.addi %add3A, %add3A_23 : i32
    %dma_start3A_25 = tpu.memref_slice %arg3[%add3A_24] : memref<1638400xi32, #tpu.memory_space<hbm>> -> memref<200xi32, #tpu.memory_space<hbm>>
    %dma_start3A_26 = tpu.memref_slice %arg3[%add3A_24] : memref<1638400xi32, #tpu.memory_space<hbm>> -> memref<200xi32, #tpu.memory_space<hbm>>
    tpu.enqueue_dma source(%dma_start3A_26 : memref<200xi32, #tpu.memory_space<hbm>>) target(%arg9 : memref<200xi32, #tpu.memory_space<vmem>>) target_semaphore(%arg19 : memref<!tpu.dma_semaphore, #tpu.memory_space<semaphore_mem>>)
    %add3A_27 = arith.constant 400 : i32
    %add3A_28 = arith.addi %add3A, %add3A_27 : i32
    %dma_start3A_29 = tpu.memref_slice %arg4[%add3A_28] : memref<1638400xi32, #tpu.memory_space<hbm>> -> memref<200xi32, #tpu.memory_space<hbm>>
    %dma_start3A_30 = tpu.memref_slice %arg4[%add3A_28] : memref<1638400xi32, #tpu.memory_space<hbm>> -> memref<200xi32, #tpu.memory_space<hbm>>
    tpu.enqueue_dma source(%dma_start3A_30 : memref<200xi32, #tpu.memory_space<hbm>>) target(%arg13 : memref<200xi32, #tpu.memory_space<vmem>>) target_semaphore(%arg23 : memref<!tpu.dma_semaphore, #tpu.memory_space<semaphore_mem>>)
    %dma_wait3A = tpu.memref_slice %arg3[%add3A] : memref<1638400xi32, #tpu.memory_space<hbm>> -> memref<200xi32, #tpu.memory_space<hbm>>
    %dma_wait3A_31 = tpu.memref_slice %arg3[%add3A] : memref<1638400xi32, #tpu.memory_space<hbm>> -> memref<200xi32, #tpu.memory_space<hbm>>
    tpu.wait_dma2 semaphore(%arg17 : memref<!tpu.dma_semaphore, #tpu.memory_space<semaphore_mem>>) src(%dma_wait3A_31 : memref<200xi32, #tpu.memory_space<hbm>>) dst(%arg7 : memref<200xi32, #tpu.memory_space<vmem>>)
    %dma_start3A_32 = arith.constant 0 : i32
    %dma_start3A_33 = arith.constant 0 : i32
    %dma_start3A_34 = tpu.memref_slice %arg2[%dma_start3A_32, %dma_start3A_33] : memref<50176x64xf32, #tpu.memory_space<hbm>> -> memref<50176x64xf32, #tpu.memory_space<hbm>>
    tpu.enqueue_indirect_dma source(%dma_start3A_34 : memref<50176x64xf32, #tpu.memory_space<hbm>>) target(%arg15 : memref<200x64xf32, #tpu.memory_space<vmem>>) offsets(%arg7 : memref<200xi32, #tpu.memory_space<vmem>>) semaphore(%arg25 : memref<!tpu.dma_semaphore, #tpu.memory_space<semaphore_mem>>)
    %scan3A = arith.constant 0 : i32
    %scan3A_35 = arith.constant 64 : i32
    %scan3A_36 = arith.addi %scan3A, %scan3A_35 : i32
    %scan3A_37 = arith.constant 1 : i32
    scf.for %scan3A_46 = %scan3A to %scan3A_36 step %scan3A_37  : i32 {
      %mul3A_47 = arith.constant 4 : i32
      %mul3A_48 = arith.muli %scan3A_46, %mul3A_47 : i32
      %add3A_49 = arith.constant 0 : i32
      %add3A_50 = arith.addi %add3A_49, %mul3A_48 : i32
      %add3A_51 = arith.constant 0 : i32
      %add3A_52 = arith.addi %add3A_50, %add3A_51 : i32
      %dma_wait3A_53 = arith.constant 0 : i32
      %dma_wait3A_54 = arith.constant 0 : i32
      %dma_wait3A_55 = tpu.memref_slice %arg2[%dma_wait3A_53, %dma_wait3A_54] : memref<50176x64xf32, #tpu.memory_space<hbm>> -> memref<50176x64xf32, #tpu.memory_space<hbm>>
      tpu.wait_indirect_dma semaphore(%arg25 : memref<!tpu.dma_semaphore, #tpu.memory_space<semaphore_mem>>) src(%dma_wait3A_55 : memref<50176x64xf32, #tpu.memory_space<hbm>>) dst(%arg15 : memref<200x64xf32, #tpu.memory_space<vmem>>)
      %add3A_56 = arith.constant 1 : i32
      %add3A_57 = arith.addi %add3A_52, %add3A_56 : i32
      %lt3A = arith.constant 256 : i32
      %lt3A_58 = arith.cmpi slt, %add3A_57, %lt3A : i32
      %convert_element_type3A = arith.extui %lt3A_58 : i1 to i32
      %cond3A = arith.constant 0 : i32
      %cond3A_59 = arith.cmpi ne, %convert_element_type3A, %cond3A : i32
      scf.if %cond3A_59 {
        %dma_wait3A_191 = tpu.memref_slice %arg3[%add3A] : memref<1638400xi32, #tpu.memory_space<hbm>> -> memref<200xi32, #tpu.memory_space<hbm>>
        %dma_wait3A_192 = tpu.memref_slice %arg3[%add3A] : memref<1638400xi32, #tpu.memory_space<hbm>> -> memref<200xi32, #tpu.memory_space<hbm>>
        tpu.wait_dma2 semaphore(%arg18 : memref<!tpu.dma_semaphore, #tpu.memory_space<semaphore_mem>>) src(%dma_wait3A_192 : memref<200xi32, #tpu.memory_space<hbm>>) dst(%arg8 : memref<200xi32, #tpu.memory_space<vmem>>)
      } else {
      }
      %ge3A = arith.constant 1 : i32
      %ge3A_60 = arith.cmpi sge, %add3A_52, %ge3A : i32
      %convert_element_type3A_61 = arith.extui %ge3A_60 : i1 to i32
      %cond3A_62 = arith.constant 0 : i32
      %cond3A_63 = arith.cmpi ne, %convert_element_type3A_61, %cond3A_62 : i32
      scf.if %cond3A_63 {
        %dma_wait3A_191 = arith.constant 0 : i32
        %dma_wait3A_192 = arith.constant 0 : i32
        %dma_wait3A_193 = tpu.memref_slice %arg6[%dma_wait3A_191, %dma_wait3A_192] : memref<25088x64xf32, #tpu.memory_space<vmem_shared>> -> memref<25088x64xf32, #tpu.memory_space<vmem_shared>>
        tpu.wait_indirect_dma semaphore(%arg28 : memref<!tpu.dma_semaphore, #tpu.memory_space<semaphore_mem>>) src(%arg16 : memref<200x64xf32, #tpu.memory_space<vmem>>) dst(%dma_wait3A_193 : memref<25088x64xf32, #tpu.memory_space<vmem_shared>>)
      } else {
      }
      %add3A_64 = arith.constant 1 : i32
      %add3A_65 = arith.addi %add3A_52, %add3A_64 : i32
      %lt3A_66 = arith.constant 256 : i32
      %lt3A_67 = arith.cmpi slt, %add3A_65, %lt3A_66 : i32
      %convert_element_type3A_68 = arith.extui %lt3A_67 : i1 to i32
      %cond3A_69 = arith.constant 0 : i32
      %cond3A_70 = arith.cmpi ne, %convert_element_type3A_68, %cond3A_69 : i32
      scf.if %cond3A_70 {
        %dma_start3A_191 = arith.constant 0 : i32
        %dma_start3A_192 = arith.constant 0 : i32
        %dma_start3A_193 = tpu.memref_slice %arg2[%dma_start3A_191, %dma_start3A_192] : memref<50176x64xf32, #tpu.memory_space<hbm>> -> memref<50176x64xf32, #tpu.memory_space<hbm>>
        tpu.enqueue_indirect_dma source(%dma_start3A_193 : memref<50176x64xf32, #tpu.memory_space<hbm>>) target(%arg16 : memref<200x64xf32, #tpu.memory_space<vmem>>) offsets(%arg8 : memref<200xi32, #tpu.memory_space<vmem>>) semaphore(%arg26 : memref<!tpu.dma_semaphore, #tpu.memory_space<semaphore_mem>>)
      } else {
      }
      %dma_wait3A_71 = tpu.memref_slice %arg4[%add3A] : memref<1638400xi32, #tpu.memory_space<hbm>> -> memref<200xi32, #tpu.memory_space<hbm>>
      %dma_wait3A_72 = tpu.memref_slice %arg4[%add3A] : memref<1638400xi32, #tpu.memory_space<hbm>> -> memref<200xi32, #tpu.memory_space<hbm>>
      tpu.wait_dma2 semaphore(%arg21 : memref<!tpu.dma_semaphore, #tpu.memory_space<semaphore_mem>>) src(%dma_wait3A_72 : memref<200xi32, #tpu.memory_space<hbm>>) dst(%arg11 : memref<200xi32, #tpu.memory_space<vmem>>)
      %dma_start3A_73 = arith.constant 0 : i32
      %dma_start3A_74 = arith.constant 0 : i32
      %dma_start3A_75 = tpu.memref_slice %arg6[%dma_start3A_73, %dma_start3A_74] : memref<25088x64xf32, #tpu.memory_space<vmem_shared>> -> memref<25088x64xf32, #tpu.memory_space<vmem_shared>>
      tpu.enqueue_indirect_dma source(%arg15 : memref<200x64xf32, #tpu.memory_space<vmem>>) target(%dma_start3A_75 : memref<25088x64xf32, #tpu.memory_space<vmem_shared>>) offsets(%arg11 : memref<200xi32, #tpu.memory_space<vmem>>) semaphore(%arg27 : memref<!tpu.dma_semaphore, #tpu.memory_space<semaphore_mem>>) {add = true}
      %add3A_76 = arith.constant 3 : i32
      %add3A_77 = arith.addi %add3A_52, %add3A_76 : i32
      %lt3A_78 = arith.constant 256 : i32
      %lt3A_79 = arith.cmpi slt, %add3A_77, %lt3A_78 : i32
      %convert_element_type3A_80 = arith.extui %lt3A_79 : i1 to i32
      %cond3A_81 = arith.constant 0 : i32
      %cond3A_82 = arith.cmpi ne, %convert_element_type3A_80, %cond3A_81 : i32
      scf.if %cond3A_82 {
        %add3A_191 = arith.constant 3 : i32
        %add3A_192 = arith.addi %add3A_52, %add3A_191 : i32
        %mul3A_193 = arith.constant 200 : i32
        %mul3A_194 = arith.muli %add3A_192, %mul3A_193 : i32
        %add3A_195 = arith.addi %add3A, %mul3A_194 : i32
        %dma_start3A_196 = tpu.memref_slice %arg3[%add3A_195] : memref<1638400xi32, #tpu.memory_space<hbm>> -> memref<200xi32, #tpu.memory_space<hbm>>
        %dma_start3A_197 = tpu.memref_slice %arg3[%add3A_195] : memref<1638400xi32, #tpu.memory_space<hbm>> -> memref<200xi32, #tpu.memory_space<hbm>>
        tpu.enqueue_dma source(%dma_start3A_197 : memref<200xi32, #tpu.memory_space<hbm>>) target(%arg10 : memref<200xi32, #tpu.memory_space<vmem>>) target_semaphore(%arg20 : memref<!tpu.dma_semaphore, #tpu.memory_space<semaphore_mem>>)
        %mul3A_198 = arith.constant 200 : i32
        %mul3A_199 = arith.muli %add3A_192, %mul3A_198 : i32
        %add3A_200 = arith.addi %add3A, %mul3A_199 : i32
        %dma_start3A_201 = tpu.memref_slice %arg4[%add3A_200] : memref<1638400xi32, #tpu.memory_space<hbm>> -> memref<200xi32, #tpu.memory_space<hbm>>
        %dma_start3A_202 = tpu.memref_slice %arg4[%add3A_200] : memref<1638400xi32, #tpu.memory_space<hbm>> -> memref<200xi32, #tpu.memory_space<hbm>>
        tpu.enqueue_dma source(%dma_start3A_202 : memref<200xi32, #tpu.memory_space<hbm>>) target(%arg14 : memref<200xi32, #tpu.memory_space<vmem>>) target_semaphore(%arg24 : memref<!tpu.dma_semaphore, #tpu.memory_space<semaphore_mem>>)
      } else {
      }
      %add3A_83 = arith.constant 1 : i32
      %add3A_84 = arith.addi %add3A_50, %add3A_83 : i32
      %dma_wait3A_85 = arith.constant 0 : i32
      %dma_wait3A_86 = arith.constant 0 : i32
      %dma_wait3A_87 = tpu.memref_slice %arg2[%dma_wait3A_85, %dma_wait3A_86] : memref<50176x64xf32, #tpu.memory_space<hbm>> -> memref<50176x64xf32, #tpu.memory_space<hbm>>
      tpu.wait_indirect_dma semaphore(%arg26 : memref<!tpu.dma_semaphore, #tpu.memory_space<semaphore_mem>>) src(%dma_wait3A_87 : memref<50176x64xf32, #tpu.memory_space<hbm>>) dst(%arg16 : memref<200x64xf32, #tpu.memory_space<vmem>>)
      %add3A_88 = arith.constant 1 : i32
      %add3A_89 = arith.addi %add3A_84, %add3A_88 : i32
      %lt3A_90 = arith.constant 256 : i32
      %lt3A_91 = arith.cmpi slt, %add3A_89, %lt3A_90 : i32
      %convert_element_type3A_92 = arith.extui %lt3A_91 : i1 to i32
      %cond3A_93 = arith.constant 0 : i32
      %cond3A_94 = arith.cmpi ne, %convert_element_type3A_92, %cond3A_93 : i32
      scf.if %cond3A_94 {
        %dma_wait3A_191 = tpu.memref_slice %arg3[%add3A] : memref<1638400xi32, #tpu.memory_space<hbm>> -> memref<200xi32, #tpu.memory_space<hbm>>
        %dma_wait3A_192 = tpu.memref_slice %arg3[%add3A] : memref<1638400xi32, #tpu.memory_space<hbm>> -> memref<200xi32, #tpu.memory_space<hbm>>
        tpu.wait_dma2 semaphore(%arg19 : memref<!tpu.dma_semaphore, #tpu.memory_space<semaphore_mem>>) src(%dma_wait3A_192 : memref<200xi32, #tpu.memory_space<hbm>>) dst(%arg9 : memref<200xi32, #tpu.memory_space<vmem>>)
      } else {
      }
      %ge3A_95 = arith.constant 1 : i32
      %ge3A_96 = arith.cmpi sge, %add3A_84, %ge3A_95 : i32
      %convert_element_type3A_97 = arith.extui %ge3A_96 : i1 to i32
      %cond3A_98 = arith.constant 0 : i32
      %cond3A_99 = arith.cmpi ne, %convert_element_type3A_97, %cond3A_98 : i32
      scf.if %cond3A_99 {
        %dma_wait3A_191 = arith.constant 0 : i32
        %dma_wait3A_192 = arith.constant 0 : i32
        %dma_wait3A_193 = tpu.memref_slice %arg6[%dma_wait3A_191, %dma_wait3A_192] : memref<25088x64xf32, #tpu.memory_space<vmem_shared>> -> memref<25088x64xf32, #tpu.memory_space<vmem_shared>>
        tpu.wait_indirect_dma semaphore(%arg27 : memref<!tpu.dma_semaphore, #tpu.memory_space<semaphore_mem>>) src(%arg15 : memref<200x64xf32, #tpu.memory_space<vmem>>) dst(%dma_wait3A_193 : memref<25088x64xf32, #tpu.memory_space<vmem_shared>>)
      } else {
      }
      %add3A_100 = arith.constant 1 : i32
      %add3A_101 = arith.addi %add3A_84, %add3A_100 : i32
      %lt3A_102 = arith.constant 256 : i32
      %lt3A_103 = arith.cmpi slt, %add3A_101, %lt3A_102 : i32
      %convert_element_type3A_104 = arith.extui %lt3A_103 : i1 to i32
      %cond3A_105 = arith.constant 0 : i32
      %cond3A_106 = arith.cmpi ne, %convert_element_type3A_104, %cond3A_105 : i32
      scf.if %cond3A_106 {
        %dma_start3A_191 = arith.constant 0 : i32
        %dma_start3A_192 = arith.constant 0 : i32
        %dma_start3A_193 = tpu.memref_slice %arg2[%dma_start3A_191, %dma_start3A_192] : memref<50176x64xf32, #tpu.memory_space<hbm>> -> memref<50176x64xf32, #tpu.memory_space<hbm>>
        tpu.enqueue_indirect_dma source(%dma_start3A_193 : memref<50176x64xf32, #tpu.memory_space<hbm>>) target(%arg15 : memref<200x64xf32, #tpu.memory_space<vmem>>) offsets(%arg9 : memref<200xi32, #tpu.memory_space<vmem>>) semaphore(%arg25 : memref<!tpu.dma_semaphore, #tpu.memory_space<semaphore_mem>>)
      } else {
      }
      %dma_wait3A_107 = tpu.memref_slice %arg4[%add3A] : memref<1638400xi32, #tpu.memory_space<hbm>> -> memref<200xi32, #tpu.memory_space<hbm>>
      %dma_wait3A_108 = tpu.memref_slice %arg4[%add3A] : memref<1638400xi32, #tpu.memory_space<hbm>> -> memref<200xi32, #tpu.memory_space<hbm>>
      tpu.wait_dma2 semaphore(%arg22 : memref<!tpu.dma_semaphore, #tpu.memory_space<semaphore_mem>>) src(%dma_wait3A_108 : memref<200xi32, #tpu.memory_space<hbm>>) dst(%arg12 : memref<200xi32, #tpu.memory_space<vmem>>)
      %dma_start3A_109 = arith.constant 0 : i32
      %dma_start3A_110 = arith.constant 0 : i32
      %dma_start3A_111 = tpu.memref_slice %arg6[%dma_start3A_109, %dma_start3A_110] : memref<25088x64xf32, #tpu.memory_space<vmem_shared>> -> memref<25088x64xf32, #tpu.memory_space<vmem_shared>>
      tpu.enqueue_indirect_dma source(%arg16 : memref<200x64xf32, #tpu.memory_space<vmem>>) target(%dma_start3A_111 : memref<25088x64xf32, #tpu.memory_space<vmem_shared>>) offsets(%arg12 : memref<200xi32, #tpu.memory_space<vmem>>) semaphore(%arg28 : memref<!tpu.dma_semaphore, #tpu.memory_space<semaphore_mem>>) {add = true}
      %add3A_112 = arith.constant 3 : i32
      %add3A_113 = arith.addi %add3A_84, %add3A_112 : i32
      %lt3A_114 = arith.constant 256 : i32
      %lt3A_115 = arith.cmpi slt, %add3A_113, %lt3A_114 : i32
      %convert_element_type3A_116 = arith.extui %lt3A_115 : i1 to i32
      %cond3A_117 = arith.constant 0 : i32
      %cond3A_118 = arith.cmpi ne, %convert_element_type3A_116, %cond3A_117 : i32
      scf.if %cond3A_118 {
        %add3A_191 = arith.constant 3 : i32
        %add3A_192 = arith.addi %add3A_84, %add3A_191 : i32
        %mul3A_193 = arith.constant 200 : i32
        %mul3A_194 = arith.muli %add3A_192, %mul3A_193 : i32
        %add3A_195 = arith.addi %add3A, %mul3A_194 : i32
        %dma_start3A_196 = tpu.memref_slice %arg3[%add3A_195] : memref<1638400xi32, #tpu.memory_space<hbm>> -> memref<200xi32, #tpu.memory_space<hbm>>
        %dma_start3A_197 = tpu.memref_slice %arg3[%add3A_195] : memref<1638400xi32, #tpu.memory_space<hbm>> -> memref<200xi32, #tpu.memory_space<hbm>>
        tpu.enqueue_dma source(%dma_start3A_197 : memref<200xi32, #tpu.memory_space<hbm>>) target(%arg7 : memref<200xi32, #tpu.memory_space<vmem>>) target_semaphore(%arg17 : memref<!tpu.dma_semaphore, #tpu.memory_space<semaphore_mem>>)
        %mul3A_198 = arith.constant 200 : i32
        %mul3A_199 = arith.muli %add3A_192, %mul3A_198 : i32
        %add3A_200 = arith.addi %add3A, %mul3A_199 : i32
        %dma_start3A_201 = tpu.memref_slice %arg4[%add3A_200] : memref<1638400xi32, #tpu.memory_space<hbm>> -> memref<200xi32, #tpu.memory_space<hbm>>
        %dma_start3A_202 = tpu.memref_slice %arg4[%add3A_200] : memref<1638400xi32, #tpu.memory_space<hbm>> -> memref<200xi32, #tpu.memory_space<hbm>>
        tpu.enqueue_dma source(%dma_start3A_202 : memref<200xi32, #tpu.memory_space<hbm>>) target(%arg11 : memref<200xi32, #tpu.memory_space<vmem>>) target_semaphore(%arg21 : memref<!tpu.dma_semaphore, #tpu.memory_space<semaphore_mem>>)
      } else {
      }
      %add3A_119 = arith.constant 2 : i32
      %add3A_120 = arith.addi %add3A_50, %add3A_119 : i32
      %dma_wait3A_121 = arith.constant 0 : i32
      %dma_wait3A_122 = arith.constant 0 : i32
      %dma_wait3A_123 = tpu.memref_slice %arg2[%dma_wait3A_121, %dma_wait3A_122] : memref<50176x64xf32, #tpu.memory_space<hbm>> -> memref<50176x64xf32, #tpu.memory_space<hbm>>
      tpu.wait_indirect_dma semaphore(%arg25 : memref<!tpu.dma_semaphore, #tpu.memory_space<semaphore_mem>>) src(%dma_wait3A_123 : memref<50176x64xf32, #tpu.memory_space<hbm>>) dst(%arg15 : memref<200x64xf32, #tpu.memory_space<vmem>>)
      %add3A_124 = arith.constant 1 : i32
      %add3A_125 = arith.addi %add3A_120, %add3A_124 : i32
      %lt3A_126 = arith.constant 256 : i32
      %lt3A_127 = arith.cmpi slt, %add3A_125, %lt3A_126 : i32
      %convert_element_type3A_128 = arith.extui %lt3A_127 : i1 to i32
      %cond3A_129 = arith.constant 0 : i32
      %cond3A_130 = arith.cmpi ne, %convert_element_type3A_128, %cond3A_129 : i32
      scf.if %cond3A_130 {
        %dma_wait3A_191 = tpu.memref_slice %arg3[%add3A] : memref<1638400xi32, #tpu.memory_space<hbm>> -> memref<200xi32, #tpu.memory_space<hbm>>
        %dma_wait3A_192 = tpu.memref_slice %arg3[%add3A] : memref<1638400xi32, #tpu.memory_space<hbm>> -> memref<200xi32, #tpu.memory_space<hbm>>
        tpu.wait_dma2 semaphore(%arg20 : memref<!tpu.dma_semaphore, #tpu.memory_space<semaphore_mem>>) src(%dma_wait3A_192 : memref<200xi32, #tpu.memory_space<hbm>>) dst(%arg10 : memref<200xi32, #tpu.memory_space<vmem>>)
      } else {
      }
      %ge3A_131 = arith.constant 1 : i32
      %ge3A_132 = arith.cmpi sge, %add3A_120, %ge3A_131 : i32
      %convert_element_type3A_133 = arith.extui %ge3A_132 : i1 to i32
      %cond3A_134 = arith.constant 0 : i32
      %cond3A_135 = arith.cmpi ne, %convert_element_type3A_133, %cond3A_134 : i32
      scf.if %cond3A_135 {
        %dma_wait3A_191 = arith.constant 0 : i32
        %dma_wait3A_192 = arith.constant 0 : i32
        %dma_wait3A_193 = tpu.memref_slice %arg6[%dma_wait3A_191, %dma_wait3A_192] : memref<25088x64xf32, #tpu.memory_space<vmem_shared>> -> memref<25088x64xf32, #tpu.memory_space<vmem_shared>>
        tpu.wait_indirect_dma semaphore(%arg28 : memref<!tpu.dma_semaphore, #tpu.memory_space<semaphore_mem>>) src(%arg16 : memref<200x64xf32, #tpu.memory_space<vmem>>) dst(%dma_wait3A_193 : memref<25088x64xf32, #tpu.memory_space<vmem_shared>>)
      } else {
      }
      %add3A_136 = arith.constant 1 : i32
      %add3A_137 = arith.addi %add3A_120, %add3A_136 : i32
      %lt3A_138 = arith.constant 256 : i32
      %lt3A_139 = arith.cmpi slt, %add3A_137, %lt3A_138 : i32
      %convert_element_type3A_140 = arith.extui %lt3A_139 : i1 to i32
      %cond3A_141 = arith.constant 0 : i32
      %cond3A_142 = arith.cmpi ne, %convert_element_type3A_140, %cond3A_141 : i32
      scf.if %cond3A_142 {
        %dma_start3A_191 = arith.constant 0 : i32
        %dma_start3A_192 = arith.constant 0 : i32
        %dma_start3A_193 = tpu.memref_slice %arg2[%dma_start3A_191, %dma_start3A_192] : memref<50176x64xf32, #tpu.memory_space<hbm>> -> memref<50176x64xf32, #tpu.memory_space<hbm>>
        tpu.enqueue_indirect_dma source(%dma_start3A_193 : memref<50176x64xf32, #tpu.memory_space<hbm>>) target(%arg16 : memref<200x64xf32, #tpu.memory_space<vmem>>) offsets(%arg10 : memref<200xi32, #tpu.memory_space<vmem>>) semaphore(%arg26 : memref<!tpu.dma_semaphore, #tpu.memory_space<semaphore_mem>>)
      } else {
      }
      %dma_wait3A_143 = tpu.memref_slice %arg4[%add3A] : memref<1638400xi32, #tpu.memory_space<hbm>> -> memref<200xi32, #tpu.memory_space<hbm>>
      %dma_wait3A_144 = tpu.memref_slice %arg4[%add3A] : memref<1638400xi32, #tpu.memory_space<hbm>> -> memref<200xi32, #tpu.memory_space<hbm>>
      tpu.wait_dma2 semaphore(%arg23 : memref<!tpu.dma_semaphore, #tpu.memory_space<semaphore_mem>>) src(%dma_wait3A_144 : memref<200xi32, #tpu.memory_space<hbm>>) dst(%arg13 : memref<200xi32, #tpu.memory_space<vmem>>)
      %dma_start3A_145 = arith.constant 0 : i32
      %dma_start3A_146 = arith.constant 0 : i32
      %dma_start3A_147 = tpu.memref_slice %arg6[%dma_start3A_145, %dma_start3A_146] : memref<25088x64xf32, #tpu.memory_space<vmem_shared>> -> memref<25088x64xf32, #tpu.memory_space<vmem_shared>>
      tpu.enqueue_indirect_dma source(%arg15 : memref<200x64xf32, #tpu.memory_space<vmem>>) target(%dma_start3A_147 : memref<25088x64xf32, #tpu.memory_space<vmem_shared>>) offsets(%arg13 : memref<200xi32, #tpu.memory_space<vmem>>) semaphore(%arg27 : memref<!tpu.dma_semaphore, #tpu.memory_space<semaphore_mem>>) {add = true}
      %add3A_148 = arith.constant 3 : i32
      %add3A_149 = arith.addi %add3A_120, %add3A_148 : i32
      %lt3A_150 = arith.constant 256 : i32
      %lt3A_151 = arith.cmpi slt, %add3A_149, %lt3A_150 : i32
      %convert_element_type3A_152 = arith.extui %lt3A_151 : i1 to i32
      %cond3A_153 = arith.constant 0 : i32
      %cond3A_154 = arith.cmpi ne, %convert_element_type3A_152, %cond3A_153 : i32
      scf.if %cond3A_154 {
        %add3A_191 = arith.constant 3 : i32
        %add3A_192 = arith.addi %add3A_120, %add3A_191 : i32
        %mul3A_193 = arith.constant 200 : i32
        %mul3A_194 = arith.muli %add3A_192, %mul3A_193 : i32
        %add3A_195 = arith.addi %add3A, %mul3A_194 : i32
        %dma_start3A_196 = tpu.memref_slice %arg3[%add3A_195] : memref<1638400xi32, #tpu.memory_space<hbm>> -> memref<200xi32, #tpu.memory_space<hbm>>
        %dma_start3A_197 = tpu.memref_slice %arg3[%add3A_195] : memref<1638400xi32, #tpu.memory_space<hbm>> -> memref<200xi32, #tpu.memory_space<hbm>>
        tpu.enqueue_dma source(%dma_start3A_197 : memref<200xi32, #tpu.memory_space<hbm>>) target(%arg8 : memref<200xi32, #tpu.memory_space<vmem>>) target_semaphore(%arg18 : memref<!tpu.dma_semaphore, #tpu.memory_space<semaphore_mem>>)
        %mul3A_198 = arith.constant 200 : i32
        %mul3A_199 = arith.muli %add3A_192, %mul3A_198 : i32
        %add3A_200 = arith.addi %add3A, %mul3A_199 : i32
        %dma_start3A_201 = tpu.memref_slice %arg4[%add3A_200] : memref<1638400xi32, #tpu.memory_space<hbm>> -> memref<200xi32, #tpu.memory_space<hbm>>
        %dma_start3A_202 = tpu.memref_slice %arg4[%add3A_200] : memref<1638400xi32, #tpu.memory_space<hbm>> -> memref<200xi32, #tpu.memory_space<hbm>>
        tpu.enqueue_dma source(%dma_start3A_202 : memref<200xi32, #tpu.memory_space<hbm>>) target(%arg12 : memref<200xi32, #tpu.memory_space<vmem>>) target_semaphore(%arg22 : memref<!tpu.dma_semaphore, #tpu.memory_space<semaphore_mem>>)
      } else {
      }
      %add3A_155 = arith.constant 3 : i32
      %add3A_156 = arith.addi %add3A_50, %add3A_155 : i32
      %dma_wait3A_157 = arith.constant 0 : i32
      %dma_wait3A_158 = arith.constant 0 : i32
      %dma_wait3A_159 = tpu.memref_slice %arg2[%dma_wait3A_157, %dma_wait3A_158] : memref<50176x64xf32, #tpu.memory_space<hbm>> -> memref<50176x64xf32, #tpu.memory_space<hbm>>
      tpu.wait_indirect_dma semaphore(%arg26 : memref<!tpu.dma_semaphore, #tpu.memory_space<semaphore_mem>>) src(%dma_wait3A_159 : memref<50176x64xf32, #tpu.memory_space<hbm>>) dst(%arg16 : memref<200x64xf32, #tpu.memory_space<vmem>>)
      %add3A_160 = arith.constant 1 : i32
      %add3A_161 = arith.addi %add3A_156, %add3A_160 : i32
      %lt3A_162 = arith.constant 256 : i32
      %lt3A_163 = arith.cmpi slt, %add3A_161, %lt3A_162 : i32
      %convert_element_type3A_164 = arith.extui %lt3A_163 : i1 to i32
      %cond3A_165 = arith.constant 0 : i32
      %cond3A_166 = arith.cmpi ne, %convert_element_type3A_164, %cond3A_165 : i32
      scf.if %cond3A_166 {
        %dma_wait3A_191 = tpu.memref_slice %arg3[%add3A] : memref<1638400xi32, #tpu.memory_space<hbm>> -> memref<200xi32, #tpu.memory_space<hbm>>
        %dma_wait3A_192 = tpu.memref_slice %arg3[%add3A] : memref<1638400xi32, #tpu.memory_space<hbm>> -> memref<200xi32, #tpu.memory_space<hbm>>
        tpu.wait_dma2 semaphore(%arg17 : memref<!tpu.dma_semaphore, #tpu.memory_space<semaphore_mem>>) src(%dma_wait3A_192 : memref<200xi32, #tpu.memory_space<hbm>>) dst(%arg7 : memref<200xi32, #tpu.memory_space<vmem>>)
      } else {
      }
      %ge3A_167 = arith.constant 1 : i32
      %ge3A_168 = arith.cmpi sge, %add3A_156, %ge3A_167 : i32
      %convert_element_type3A_169 = arith.extui %ge3A_168 : i1 to i32
      %cond3A_170 = arith.constant 0 : i32
      %cond3A_171 = arith.cmpi ne, %convert_element_type3A_169, %cond3A_170 : i32
      scf.if %cond3A_171 {
        %dma_wait3A_191 = arith.constant 0 : i32
        %dma_wait3A_192 = arith.constant 0 : i32
        %dma_wait3A_193 = tpu.memref_slice %arg6[%dma_wait3A_191, %dma_wait3A_192] : memref<25088x64xf32, #tpu.memory_space<vmem_shared>> -> memref<25088x64xf32, #tpu.memory_space<vmem_shared>>
        tpu.wait_indirect_dma semaphore(%arg27 : memref<!tpu.dma_semaphore, #tpu.memory_space<semaphore_mem>>) src(%arg15 : memref<200x64xf32, #tpu.memory_space<vmem>>) dst(%dma_wait3A_193 : memref<25088x64xf32, #tpu.memory_space<vmem_shared>>)
      } else {
      }
      %add3A_172 = arith.constant 1 : i32
      %add3A_173 = arith.addi %add3A_156, %add3A_172 : i32
      %lt3A_174 = arith.constant 256 : i32
      %lt3A_175 = arith.cmpi slt, %add3A_173, %lt3A_174 : i32
      %convert_element_type3A_176 = arith.extui %lt3A_175 : i1 to i32
      %cond3A_177 = arith.constant 0 : i32
      %cond3A_178 = arith.cmpi ne, %convert_element_type3A_176, %cond3A_177 : i32
      scf.if %cond3A_178 {
        %dma_start3A_191 = arith.constant 0 : i32
        %dma_start3A_192 = arith.constant 0 : i32
        %dma_start3A_193 = tpu.memref_slice %arg2[%dma_start3A_191, %dma_start3A_192] : memref<50176x64xf32, #tpu.memory_space<hbm>> -> memref<50176x64xf32, #tpu.memory_space<hbm>>
        tpu.enqueue_indirect_dma source(%dma_start3A_193 : memref<50176x64xf32, #tpu.memory_space<hbm>>) target(%arg15 : memref<200x64xf32, #tpu.memory_space<vmem>>) offsets(%arg7 : memref<200xi32, #tpu.memory_space<vmem>>) semaphore(%arg25 : memref<!tpu.dma_semaphore, #tpu.memory_space<semaphore_mem>>)
      } else {
      }
      %dma_wait3A_179 = tpu.memref_slice %arg4[%add3A] : memref<1638400xi32, #tpu.memory_space<hbm>> -> memref<200xi32, #tpu.memory_space<hbm>>
      %dma_wait3A_180 = tpu.memref_slice %arg4[%add3A] : memref<1638400xi32, #tpu.memory_space<hbm>> -> memref<200xi32, #tpu.memory_space<hbm>>
      tpu.wait_dma2 semaphore(%arg24 : memref<!tpu.dma_semaphore, #tpu.memory_space<semaphore_mem>>) src(%dma_wait3A_180 : memref<200xi32, #tpu.memory_space<hbm>>) dst(%arg14 : memref<200xi32, #tpu.memory_space<vmem>>)
      %dma_start3A_181 = arith.constant 0 : i32
      %dma_start3A_182 = arith.constant 0 : i32
      %dma_start3A_183 = tpu.memref_slice %arg6[%dma_start3A_181, %dma_start3A_182] : memref<25088x64xf32, #tpu.memory_space<vmem_shared>> -> memref<25088x64xf32, #tpu.memory_space<vmem_shared>>
      tpu.enqueue_indirect_dma source(%arg16 : memref<200x64xf32, #tpu.memory_space<vmem>>) target(%dma_start3A_183 : memref<25088x64xf32, #tpu.memory_space<vmem_shared>>) offsets(%arg14 : memref<200xi32, #tpu.memory_space<vmem>>) semaphore(%arg28 : memref<!tpu.dma_semaphore, #tpu.memory_space<semaphore_mem>>) {add = true}
      %add3A_184 = arith.constant 3 : i32
      %add3A_185 = arith.addi %add3A_156, %add3A_184 : i32
      %lt3A_186 = arith.constant 256 : i32
      %lt3A_187 = arith.cmpi slt, %add3A_185, %lt3A_186 : i32
      %convert_element_type3A_188 = arith.extui %lt3A_187 : i1 to i32
      %cond3A_189 = arith.constant 0 : i32
      %cond3A_190 = arith.cmpi ne, %convert_element_type3A_188, %cond3A_189 : i32
      scf.if %cond3A_190 {
        %add3A_191 = arith.constant 3 : i32
        %add3A_192 = arith.addi %add3A_156, %add3A_191 : i32
        %mul3A_193 = arith.constant 200 : i32
        %mul3A_194 = arith.muli %add3A_192, %mul3A_193 : i32
        %add3A_195 = arith.addi %add3A, %mul3A_194 : i32
        %dma_start3A_196 = tpu.memref_slice %arg3[%add3A_195] : memref<1638400xi32, #tpu.memory_space<hbm>> -> memref<200xi32, #tpu.memory_space<hbm>>
        %dma_start3A_197 = tpu.memref_slice %arg3[%add3A_195] : memref<1638400xi32, #tpu.memory_space<hbm>> -> memref<200xi32, #tpu.memory_space<hbm>>
        tpu.enqueue_dma source(%dma_start3A_197 : memref<200xi32, #tpu.memory_space<hbm>>) target(%arg9 : memref<200xi32, #tpu.memory_space<vmem>>) target_semaphore(%arg19 : memref<!tpu.dma_semaphore, #tpu.memory_space<semaphore_mem>>)
        %mul3A_198 = arith.constant 200 : i32
        %mul3A_199 = arith.muli %add3A_192, %mul3A_198 : i32
        %add3A_200 = arith.addi %add3A, %mul3A_199 : i32
        %dma_start3A_201 = tpu.memref_slice %arg4[%add3A_200] : memref<1638400xi32, #tpu.memory_space<hbm>> -> memref<200xi32, #tpu.memory_space<hbm>>
        %dma_start3A_202 = tpu.memref_slice %arg4[%add3A_200] : memref<1638400xi32, #tpu.memory_space<hbm>> -> memref<200xi32, #tpu.memory_space<hbm>>
        tpu.enqueue_dma source(%dma_start3A_202 : memref<200xi32, #tpu.memory_space<hbm>>) target(%arg13 : memref<200xi32, #tpu.memory_space<vmem>>) target_semaphore(%arg23 : memref<!tpu.dma_semaphore, #tpu.memory_space<semaphore_mem>>)
      } else {
      }
    }
    %scan3A_38 = arith.constant 64 : i32
    %dma_wait3A_39 = arith.constant 0 : i32
    %dma_wait3A_40 = arith.constant 0 : i32
    %dma_wait3A_41 = tpu.memref_slice %arg6[%dma_wait3A_39, %dma_wait3A_40] : memref<25088x64xf32, #tpu.memory_space<vmem_shared>> -> memref<25088x64xf32, #tpu.memory_space<vmem_shared>>
    tpu.wait_indirect_dma semaphore(%arg28 : memref<!tpu.dma_semaphore, #tpu.memory_space<semaphore_mem>>) src(%arg16 : memref<200x64xf32, #tpu.memory_space<vmem>>) dst(%dma_wait3A_41 : memref<25088x64xf32, #tpu.memory_space<vmem_shared>>)
    %barrier3A_42 = arith.constant 0 : index
    tpu.barrier barrier_id(%barrier3A_42)
    %mul3A_43 = arith.constant 25088 : i32
    %mul3A_44 = arith.muli %arg0, %mul3A_43 : i32
    %add3A_45 = arith.addi %mul3A_44, %mul3A_4 : i32
    "tpu.region"() ({
      %run_scoped3A = tpu.sem_alloc : memref<!tpu.dma_semaphore, #tpu.memory_space<semaphore_mem>>
      %dma_start3A_46 = arith.constant 0 : i32
      %dma_start3A_47 = tpu.memref_slice %arg5[%add3A_45, %dma_start3A_46] : memref<50176x64xf32, #tpu.memory_space<hbm>> -> memref<1568x64xf32, #tpu.memory_space<hbm>>
      %dma_start3A_48 = arith.constant 0 : i32
      %dma_start3A_49 = tpu.memref_slice %arg6[%mul3A_4, %dma_start3A_48] : memref<25088x64xf32, #tpu.memory_space<vmem_shared>> -> memref<1568x64xf32, #tpu.memory_space<vmem_shared>>
      tpu.enqueue_dma source(%dma_start3A_49 : memref<1568x64xf32, #tpu.memory_space<vmem_shared>>) target(%dma_start3A_47 : memref<1568x64xf32, #tpu.memory_space<hbm>>) target_semaphore(%run_scoped3A : memref<!tpu.dma_semaphore, #tpu.memory_space<semaphore_mem>>)
      %dma_wait3A_50 = arith.constant 0 : i32
      %dma_wait3A_51 = tpu.memref_slice %arg5[%add3A_45, %dma_wait3A_50] : memref<50176x64xf32, #tpu.memory_space<hbm>> -> memref<1568x64xf32, #tpu.memory_space<hbm>>
      %dma_wait3A_52 = arith.constant 0 : i32
      %dma_wait3A_53 = tpu.memref_slice %arg6[%mul3A_4, %dma_wait3A_52] : memref<25088x64xf32, #tpu.memory_space<vmem_shared>> -> memref<1568x64xf32, #tpu.memory_space<vmem_shared>>
      tpu.wait_dma2 semaphore(%run_scoped3A : memref<!tpu.dma_semaphore, #tpu.memory_space<semaphore_mem>>) src(%dma_wait3A_53 : memref<1568x64xf32, #tpu.memory_space<vmem_shared>>) dst(%dma_wait3A_51 : memref<1568x64xf32, #tpu.memory_space<hbm>>)
      tpu.yield
    }) : () -> ()
    return
  }
}

module attributes {stable_mosaic.version = 14 : i64} {
  func.func @_tc_pre_body(%arg0: i32, %arg1: memref<6272x64xf32, #tpu.memory_space<vmem>>, %arg2: memref<64x64xf32, #tpu.memory_space<vmem>>, %arg3: memref<6272x16xf32, #tpu.memory_space<vmem>>, %arg4: memref<6272x64xf32, #tpu.memory_space<vmem>>) attributes {dimension_semantics = [#tpu.dimension_semantics<arbitrary>], iteration_bounds = array<i64: 8>, scalar_prefetch = 0 : i64, scratch_operands = 0 : i64, tpu.core_type = #tpu.core_type<tc>, window_params = [{transform_indices = @transform_0, window_bounds = array<i64: 6272, 64>}, {pipeline_mode = #tpu.pipeline_mode<synchronous>, transform_indices = @transform_1, window_bounds = array<i64: 64, 64>}, {transform_indices = @transform_2, window_bounds = array<i64: 6272, 16>}, {transform_indices = @transform_3, window_bounds = array<i64: 6272, 64>}]} {
    %get3A = arith.constant 0 : index
    %get3A_0 = arith.constant 0 : index
    %get3A_1 = vector.load %arg1[%get3A, %get3A_0] : memref<6272x64xf32, #tpu.memory_space<vmem>>, vector<6272x64xf32>
    %get3A_2 = arith.constant 0 : index
    %get3A_3 = arith.constant 0 : index
    %get3A_4 = vector.load %arg2[%get3A_2, %get3A_3] : memref<64x64xf32, #tpu.memory_space<vmem>>, vector<64x64xf32>
    %dot_general3A = arith.constant dense<0.000000e+00> : vector<6272x64xf32>
    %dot_general3A_5 = tpu.matmul %get3A_1, %get3A_4, %dot_general3A {dimension_numbers = #tpu.dot_dimension_numbers<[1], [0], [0], [1], [0, 0, 1, 1], [], []>, transpose_lhs_hint = false} : vector<6272x64xf32>, vector<64x64xf32>, vector<6272x64xf32> -> vector<6272x64xf32>
    %get3A_6 = arith.constant 0 : index
    %get3A_7 = arith.constant 0 : index
    %get3A_8 = vector.load %arg3[%get3A_6, %get3A_7] : memref<6272x16xf32, #tpu.memory_space<vmem>>, vector<6272x16xf32>
    %slice3A = vector.extract_strided_slice %get3A_8 {offsets = [0, 0], sizes = [6272, 1], strides = [1, 1]} : vector<6272x16xf32> to vector<6272x1xf32>
    %rsqrt3A = math.rsqrt %slice3A : vector<6272x1xf32>
    %mul3A = vector.broadcast %rsqrt3A : vector<6272x1xf32> to vector<6272x64xf32>
    %mul3A_9 = arith.mulf %dot_general3A_5, %mul3A : vector<6272x64xf32>
    %swap3A = arith.constant 0 : index
    %swap3A_10 = arith.constant 0 : index
    %swap3A_11 = vector.load %arg4[%swap3A, %swap3A_10] : memref<6272x64xf32, #tpu.memory_space<vmem>>, vector<6272x64xf32>
    tpu.vector_store %arg4[%swap3A, %swap3A_10], %mul3A_9 {strides = array<i32>} : memref<6272x64xf32, #tpu.memory_space<vmem>>, vector<6272x64xf32>,
    return
  }
  func.func @transform_0(%arg0: i32) -> (i32, i32) {
    %c0_i32 = arith.constant 0 : i32
    %c0_i32_0 = arith.constant 0 : i32
    return %arg0, %c0_i32 : i32, i32
  }
  func.func @transform_1(%arg0: i32) -> (i32, i32) {
    %c0_i32 = arith.constant 0 : i32
    %c0_i32_0 = arith.constant 0 : i32
    %c0_i32_1 = arith.constant 0 : i32
    return %c0_i32, %c0_i32_0 : i32, i32
  }
  func.func @transform_2(%arg0: i32) -> (i32, i32) {
    %c0_i32 = arith.constant 0 : i32
    %c0_i32_0 = arith.constant 0 : i32
    return %arg0, %c0_i32 : i32, i32
  }
  func.func @transform_3(%arg0: i32) -> (i32, i32) {
    %c0_i32 = arith.constant 0 : i32
    %c0_i32_0 = arith.constant 0 : i32
    return %arg0, %c0_i32 : i32, i32
  }
}

module attributes {stable_mosaic.version = 14 : i64} {
  func.func @_tc_mid_body(%arg0: i32, %arg1: memref<6272x64xf32, #tpu.memory_space<vmem>>, %arg2: memref<6272x16xf32, #tpu.memory_space<vmem>>, %arg3: memref<1x64xf32, #tpu.memory_space<vmem>>, %arg4: memref<64x64xf32, #tpu.memory_space<vmem>>, %arg5: memref<6272x64xf32, #tpu.memory_space<vmem>>) attributes {dimension_semantics = [#tpu.dimension_semantics<arbitrary>], iteration_bounds = array<i64: 8>, scalar_prefetch = 0 : i64, scratch_operands = 0 : i64, tpu.core_type = #tpu.core_type<tc>, window_params = [{transform_indices = @transform_0, window_bounds = array<i64: 6272, 64>}, {transform_indices = @transform_1, window_bounds = array<i64: 6272, 16>}, {pipeline_mode = #tpu.pipeline_mode<synchronous>, transform_indices = @transform_2, window_bounds = array<i64: 1, 64>}, {pipeline_mode = #tpu.pipeline_mode<synchronous>, transform_indices = @transform_3, window_bounds = array<i64: 64, 64>}, {transform_indices = @transform_4, window_bounds = array<i64: 6272, 64>}]} {
    %get3A = arith.constant 0 : index
    %get3A_0 = arith.constant 0 : index
    %get3A_1 = vector.load %arg2[%get3A, %get3A_0] : memref<6272x16xf32, #tpu.memory_space<vmem>>, vector<6272x16xf32>
    %slice3A = vector.extract_strided_slice %get3A_1 {offsets = [0, 0], sizes = [6272, 1], strides = [1, 1]} : vector<6272x16xf32> to vector<6272x1xf32>
    %rsqrt3A = math.rsqrt %slice3A : vector<6272x1xf32>
    %get3A_2 = arith.constant 0 : index
    %get3A_3 = arith.constant 0 : index
    %get3A_4 = vector.load %arg1[%get3A_2, %get3A_3] : memref<6272x64xf32, #tpu.memory_space<vmem>>, vector<6272x64xf32>
    %mul3A = vector.broadcast %rsqrt3A : vector<6272x1xf32> to vector<6272x64xf32>
    %mul3A_5 = arith.mulf %get3A_4, %mul3A : vector<6272x64xf32>
    %get3A_6 = arith.constant 0 : index
    %get3A_7 = arith.constant 0 : index
    %get3A_8 = vector.load %arg3[%get3A_6, %get3A_7] : memref<1x64xf32, #tpu.memory_space<vmem>>, vector<1x64xf32>
    %add3A = vector.broadcast %get3A_8 : vector<1x64xf32> to vector<6272x64xf32>
    %add3A_9 = arith.addf %mul3A_5, %add3A : vector<6272x64xf32>
    %max3A = arith.constant 0.000000e+00 : f32
    %max3A_10 = vector.broadcast %max3A : f32 to vector<6272x64xf32>
    %max3A_11 = arith.maximumf %add3A_9, %max3A_10 : vector<6272x64xf32>
    %get3A_12 = arith.constant 0 : index
    %get3A_13 = arith.constant 0 : index
    %get3A_14 = vector.load %arg4[%get3A_12, %get3A_13] : memref<64x64xf32, #tpu.memory_space<vmem>>, vector<64x64xf32>
    %dot_general3A = arith.constant dense<0.000000e+00> : vector<6272x64xf32>
    %dot_general3A_15 = tpu.matmul %max3A_11, %get3A_14, %dot_general3A {dimension_numbers = #tpu.dot_dimension_numbers<[1], [0], [0], [1], [0, 0, 1, 1], [], []>, transpose_lhs_hint = false} : vector<6272x64xf32>, vector<64x64xf32>, vector<6272x64xf32> -> vector<6272x64xf32>
    %mul3A_16 = vector.broadcast %rsqrt3A : vector<6272x1xf32> to vector<6272x64xf32>
    %mul3A_17 = arith.mulf %dot_general3A_15, %mul3A_16 : vector<6272x64xf32>
    %swap3A = arith.constant 0 : index
    %swap3A_18 = arith.constant 0 : index
    %swap3A_19 = vector.load %arg5[%swap3A, %swap3A_18] : memref<6272x64xf32, #tpu.memory_space<vmem>>, vector<6272x64xf32>
    tpu.vector_store %arg5[%swap3A, %swap3A_18], %mul3A_17 {strides = array<i32>} : memref<6272x64xf32, #tpu.memory_space<vmem>>, vector<6272x64xf32>,
    return
  }
  func.func @transform_0(%arg0: i32) -> (i32, i32) {
    %c0_i32 = arith.constant 0 : i32
    %c0_i32_0 = arith.constant 0 : i32
    return %arg0, %c0_i32 : i32, i32
  }
  func.func @transform_1(%arg0: i32) -> (i32, i32) {
    %c0_i32 = arith.constant 0 : i32
    %c0_i32_0 = arith.constant 0 : i32
    return %arg0, %c0_i32 : i32, i32
  }
  func.func @transform_2(%arg0: i32) -> (i32, i32) {
    %c0_i32 = arith.constant 0 : i32
    %c0_i32_0 = arith.constant 0 : i32
    %c0_i32_1 = arith.constant 0 : i32
    return %c0_i32, %c0_i32_0 : i32, i32
  }
  func.func @transform_3(%arg0: i32) -> (i32, i32) {
    %c0_i32 = arith.constant 0 : i32
    %c0_i32_0 = arith.constant 0 : i32
    %c0_i32_1 = arith.constant 0 : i32
    return %c0_i32, %c0_i32_0 : i32, i32
  }
  func.func @transform_4(%arg0: i32) -> (i32, i32) {
    %c0_i32 = arith.constant 0 : i32
    %c0_i32_0 = arith.constant 0 : i32
    return %arg0, %c0_i32 : i32, i32
  }
}

module attributes {stable_mosaic.version = 14 : i64} {
  func.func @_tc_post_body(%arg0: i32, %arg1: memref<6272x64xf32, #tpu.memory_space<vmem>>, %arg2: memref<6272x16xf32, #tpu.memory_space<vmem>>, %arg3: memref<1x64xf32, #tpu.memory_space<vmem>>, %arg4: memref<6272x64xf32, #tpu.memory_space<vmem>>) attributes {dimension_semantics = [#tpu.dimension_semantics<arbitrary>], iteration_bounds = array<i64: 8>, scalar_prefetch = 0 : i64, scratch_operands = 0 : i64, tpu.core_type = #tpu.core_type<tc>, window_params = [{transform_indices = @transform_0, window_bounds = array<i64: 6272, 64>}, {transform_indices = @transform_1, window_bounds = array<i64: 6272, 16>}, {pipeline_mode = #tpu.pipeline_mode<synchronous>, transform_indices = @transform_2, window_bounds = array<i64: 1, 64>}, {transform_indices = @transform_3, window_bounds = array<i64: 6272, 64>}]} {
    %get3A = arith.constant 0 : index
    %get3A_0 = arith.constant 0 : index
    %get3A_1 = vector.load %arg1[%get3A, %get3A_0] : memref<6272x64xf32, #tpu.memory_space<vmem>>, vector<6272x64xf32>
    %get3A_2 = arith.constant 0 : index
    %get3A_3 = arith.constant 0 : index
    %get3A_4 = vector.load %arg2[%get3A_2, %get3A_3] : memref<6272x16xf32, #tpu.memory_space<vmem>>, vector<6272x16xf32>
    %slice3A = vector.extract_strided_slice %get3A_4 {offsets = [0, 0], sizes = [6272, 1], strides = [1, 1]} : vector<6272x16xf32> to vector<6272x1xf32>
    %rsqrt3A = math.rsqrt %slice3A : vector<6272x1xf32>
    %mul3A = vector.broadcast %rsqrt3A : vector<6272x1xf32> to vector<6272x64xf32>
    %mul3A_5 = arith.mulf %get3A_1, %mul3A : vector<6272x64xf32>
    %get3A_6 = arith.constant 0 : index
    %get3A_7 = arith.constant 0 : index
    %get3A_8 = vector.load %arg3[%get3A_6, %get3A_7] : memref<1x64xf32, #tpu.memory_space<vmem>>, vector<1x64xf32>
    %add3A = vector.broadcast %get3A_8 : vector<1x64xf32> to vector<6272x64xf32>
    %add3A_9 = arith.addf %mul3A_5, %add3A : vector<6272x64xf32>
    %max3A = arith.constant 0.000000e+00 : f32
    %max3A_10 = vector.broadcast %max3A : f32 to vector<6272x64xf32>
    %max3A_11 = arith.maximumf %add3A_9, %max3A_10 : vector<6272x64xf32>
    %swap3A = arith.constant 0 : index
    %swap3A_12 = arith.constant 0 : index
    %swap3A_13 = vector.load %arg4[%swap3A, %swap3A_12] : memref<6272x64xf32, #tpu.memory_space<vmem>>, vector<6272x64xf32>
    tpu.vector_store %arg4[%swap3A, %swap3A_12], %max3A_11 {strides = array<i32>} : memref<6272x64xf32, #tpu.memory_space<vmem>>, vector<6272x64xf32>,
    return
  }
  func.func @transform_0(%arg0: i32) -> (i32, i32) {
    %c0_i32 = arith.constant 0 : i32
    %c0_i32_0 = arith.constant 0 : i32
    return %arg0, %c0_i32 : i32, i32
  }
  func.func @transform_1(%arg0: i32) -> (i32, i32) {
    %c0_i32 = arith.constant 0 : i32
    %c0_i32_0 = arith.constant 0 : i32
    return %arg0, %c0_i32 : i32, i32
  }
  func.func @transform_2(%arg0: i32) -> (i32, i32) {
    %c0_i32 = arith.constant 0 : i32
    %c0_i32_0 = arith.constant 0 : i32
    %c0_i32_1 = arith.constant 0 : i32
    return %c0_i32, %c0_i32_0 : i32, i32
  }
  func.func @transform_3(%arg0: i32) -> (i32, i32) {
    %c0_i32 = arith.constant 0 : i32
    %c0_i32_0 = arith.constant 0 : i32
    return %arg0, %c0_i32 : i32, i32
  }
}

</mosaic_0001>

<sc_bundles>
// kernel: kernel.11.cloned.1.call-start
scs
__scs_entry_jumppad:
0x0: {  	(pc) =	sbr.rel $0x88, $3  }
0x1: {  	(tag) =	ssettag $0x0;
	lr =	simm.s32 $0x1  }
0x2: {  	[smem:$0x3F9A] =	sst lr;
	_ =	strace $0xD0000000  }
0x3: {  	_ = 	snop  }
0x4: {  	_ = 	snop  }
0x5: {  	_ = 	snop  }
0x6: {  	_ = 	snop  }
0x7: {  	_ = 	snop  }
__scs_overlays_trampoline_lowered:
0x8: {  	[smem:$0x3FA9] =	sst s0  }
0x9: {  	[smem:$0x3FAA] =	sst s1  }
0xa: {  	[smem:$0x3FAB] =	sst s2  }
0xb: {  	[smem:$0x3FAC] =	sst s3  }
0xc: {  	[smem:$0x3FAD] =	sst s4  }
0xd: {  	[smem:$0x3FAE] =	sst s5  }
0xe: {  	[smem:$0x3FAF] =	sst s6  }
0xf: {  	[smem:$0x3FB0] =	sst s7  }
0x10: {  	[smem:$0x3FB1] =	sst s8  }
0x11: {  	[smem:$0x3FB2] =	sst s9;
	s0 =	simm.s32 @!p0 $0x0  }
0x12: {  	s1 =	sld [smem:$0x3F98];
	s0 =	simm.s32 @p0 $0x1  }
0x13: {  	[smem:$0x3FB3] =	sst s0;
	s0 =	simm.s32 @!p1 $0x0  }
0x14: {  	s2 =	sld [smem:$0x3F97];
	s0 =	simm.s32 @p1 $0x1  }
0x15: {  	[smem:$0x3FB4] =	sst s0;
	s0 =	simm.s32 @!p2 $0x0  }
0x16: {  	s3 =	sld [smem:$0x3FDB];
	s0 =	simm.s32 @p2 $0x1  }
0x17: {  	s4 =	simm.s32 $0x1BF5;
	[smem:$0x3FB6] =	sst s0  }
0x18: {  	s0 =	sld [smem:$0x3F99];
	_ =	swait.ge [sflag:s4], $0x0  }
0x19: {  	s7 =	sld [smem:$0x3F9A]  }
0x1a: {  	s8 =	sadd.s32 $0xFFFFE003, lr  }
0x1b: {  	s9 =	sadd.s32 $0xFFFFFEF7, lr;
	s5 =	simm.s32 $0xFFFFFFFF;
	p2 =	slt.u32 s8, $0xFFFFF086  }
0x1c: {  	p1 =	slt.u32 s9, $0xF7A;
	s5 =	simm.s32 @!p2 $0x0  }
0x1d: {  	s5 =	simm.s32 @p1 $0x1;
	p0 =	seq.s32 s7, s2  }
0x1e: {  	s7 =	smul.u32 @!p0 $0xF7A, s2;
	p2 =	seq.s32 @!p0 s5, $0x0  }
0x1f: {  	s9 =	smul.u32 $0xF7A, s1;
	s8 =	simm.s32 @!p0 $0x1BF5;
	p2 =	por !p2, p0  }
0x20: {  	[sflag:s8] =	ssyncset.s32 @!p0 $0xFFFFF086;
	s6 =	sadd.s32 @!p0 s3, s7;
	s7 =	simm.s32 @!p0 $0x108  }
0x21: {  	s3 =	sadd.s32 s3, s9;
	s6 =	sadd.s32 @!p0 $0x88, s6;
	s7 =	simm.s32 @p2 $0x1082  }
0x22: {  	[simem:s7], [sflag:s8] =	dma.local @!p0 [hbm:s6], $0xF7A  }
0x23: {  	s9 =	sor.u32 $0xD0000000, s2;
	s6 =	simm.s32 $0x108;
	_ =	swait.ge @!p0 [sflag:s8], $0x0  }
0x24: {  	s3 =	sadd.s32 $0x88, s3;
	s6 =	simm.s32 @!p1 $0x1082;
	[sflag:s4] =	ssyncset.s32 $0xFFFFF086  }
0x25: {  	[simem:s6], [sflag:s4] =	dma.local [hbm:s3], $0xF7A  }
0x26: {  	[smem:$0x3F9A] =	sst s1;
	(tag) =	ssettag s2;
	_ =	strace s9  }
0x27: {  	s1 =	sld [smem:$0x3FAA]  }
0x28: {  	s2 =	sld [smem:$0x3FAB]  }
0x29: {  	s4 =	sld [smem:$0x3FAD]  }
0x2a: {  	p0 =	seq.s32 s5, $0x0;
	s5 =	sld [smem:$0x3FAE]  }
0x2b: {  	s6 =	sld [smem:$0x3FAF]  }
0x2c: {  	s7 =	sld [smem:$0x3FB0]  }
0x2d: {  	s3 =	simm.s32 $0x108;
	s8 =	sld [smem:$0x3FB1]  }
0x2e: {  	s3 =	simm.s32 @!p0 $0x1082;
	s9 =	sld [smem:$0x3FB2]  }
0x2f: {  	lr =	sadd.s32 s0, s3;
	s0 =	sld [smem:$0x3FA9]  }
0x30: {  	s3 =	sld [smem:$0x3FAC]  }
0x31: {  	[smem:$0x3FB5] =	sst s10  }
0x32: {  	s10 =	sld [smem:$0x3FB3];
	_ =	sdelay $0x3  }
0x33: {  	p0 =	seq.s32 s10, $0x1;
	s10 =	sld [smem:$0x3FB5];
	_ =	sdelay $0x3  }
0x34: {  	[smem:$0x3FB5] =	sst s10  }
0x35: {  	s10 =	sld [smem:$0x3FB4];
	_ =	sdelay $0x3  }
0x36: {  	p1 =	seq.s32 s10, $0x1;
	s10 =	sld [smem:$0x3FB5];
	_ =	sdelay $0x3  }
0x37: {  	[smem:$0x3FB5] =	sst s10  }
0x38: {  	s10 =	sld [smem:$0x3FB6]  }
0x39: {  	_ = 	snop;
	(pc) =	sbr.ind lr, $3  }
0x3a: {  	_ = 	snop  }
0x3b: {  	_ = 	snop  }
0x3c: {  	p2 =	seq.s32 s10, $0x1;
	s10 =	sld [smem:$0x3FB5]  }
0x3d: {  	_ =	shalt  }
0x3e: {  	_ =	shalt  }
0x3f: {  	_ =	shalt  }
0x40: {  	_ =	shalt  }
0x41: {  	_ =	shalt  }
0x42: {  	_ =	shalt  }
0x43: {  	_ =	shalt  }
0x44: {  	_ =	shalt  }
0x45: {  	_ =	shalt  }
0x46: {  	_ =	shalt  }
0x47: {  	_ =	shalt  }
0x48: {  	_ =	shalt  }
0x49: {  	_ =	shalt  }
0x4a: {  	_ =	shalt  }
0x4b: {  	_ =	shalt  }
0x4c: {  	_ =	shalt  }
0x4d: {  	_ =	shalt  }
0x4e: {  	_ =	shalt  }
0x4f: {  	_ =	shalt  }
0x50: {  	_ =	shalt  }
0x51: {  	_ =	shalt  }
0x52: {  	_ =	shalt  }
0x53: {  	_ =	shalt  }
0x54: {  	_ =	shalt  }
0x55: {  	_ =	shalt  }
0x56: {  	_ =	shalt  }
0x57: {  	_ =	shalt  }
0x58: {  	_ =	shalt  }
0x59: {  	_ =	shalt  }
0x5a: {  	_ =	shalt  }
0x5b: {  	_ =	shalt  }
0x5c: {  	_ =	shalt  }
0x5d: {  	_ =	shalt  }
0x5e: {  	_ =	shalt  }
0x5f: {  	_ =	shalt  }
0x60: {  	_ =	shalt  }
0x61: {  	_ =	shalt  }
0x62: {  	_ =	shalt  }
0x63: {  	_ =	shalt  }
0x64: {  	_ =	shalt  }
0x65: {  	_ =	shalt  }
0x66: {  	_ =	shalt  }
0x67: {  	_ =	shalt  }
0x68: {  	_ =	shalt  }
0x69: {  	_ =	shalt  }
0x6a: {  	_ =	shalt  }
0x6b: {  	_ =	shalt  }
0x6c: {  	_ =	shalt  }
0x6d: {  	_ =	shalt  }
0x6e: {  	_ =	shalt  }
0x6f: {  	_ =	shalt  }
0x70: {  	_ =	shalt  }
0x71: {  	_ =	shalt  }
0x72: {  	_ =	shalt  }
0x73: {  	_ =	shalt  }
0x74: {  	_ =	shalt  }
0x75: {  	_ =	shalt  }
0x76: {  	_ =	shalt  }
0x77: {  	_ =	shalt  }
0x78: {  	_ =	shalt  }
0x79: {  	_ =	shalt  }
0x7a: {  	_ =	shalt  }
0x7b: {  	_ =	shalt  }
0x7c: {  	_ =	shalt  }
0x7d: {  	_ =	shalt  }
0x7e: {  	_ =	shalt  }
0x7f: {  	_ =	shalt  }
0x80: {  	_ =	shalt  }
0x81: {  	_ =	shalt  }
0x82: {  	_ =	shalt  }
0x83: {  	_ =	shalt  }
0x84: {  	_ =	shalt  }
0x85: {  	_ =	shalt  }
0x86: {  	_ =	shalt  }
0x87: {  	_ =	shalt  }
.Lfunc_end0:
.L_simem_size_0:
called_computation.1_lowered:
.L_overlay_start_0:
0x88: {  	s2 =	sld [smem:$0x3FD9]  }
0x89: {  	s3 =	sld [smem:$0x3FFE];
	_ =	sdelay $0x1  }
0x8a: {  	s1 =	srdreg.scid  }
0x8b: {  	s0 =	sand.u32 $0x1, s1  }
0x8c: {  	s16 =	sshll.u32 s0, $0xA;
	s2 =	sadd.s32 s3, s2  }
0x8d: {  	s2 =	sadd.s32 s2, s16  }
0x8e: {  	[smem:$0x3FC1] =	sst s2  }
0x8f: {  	_ = 	snop  }
0x90: {  	(tm) =	ssettm $0x1  }
0x91: {  	s17 =	sld [smem:$0x3FFB];
	_ =	sdelay $0x3  }
0x92: {  	_ =	strace s17  }
0x93: {  	s2 =	sld [smem:$0x3FFC];
	_ =	sdelay $0x3  }
0x94: {  	_ =	strace s2  }
0x95: {  	s2 =	sld [smem:$0x3FFD];
	_ =	sdelay $0x3  }
0x96: {  	_ =	strace s2  }
0x97: {  	_ =	strace $0x8FFFFFFF  }
0x98: {  	s18 =	sld [smem:$0x3FDB];
	_ =	sdelay $0x1  }
0x99: {  	s19 =	simm.s32 $_scs_section_size  }
0x9a: {  	s4 =	simm.s32 $_size__tile_overlayer_lowered;
	s5 =	simm.s32 $_tile_overlayer_lowered  }
0x9b: {  	s22 =	simm.s32 $0x1BFF;
	s21 =	sshll.u32 s5, $0x1;
	s2 =	sadd.s32 s19, s18  }
0x9c: {  	s6 =	simm.s32 $0x0;
	s20 =	sshll.u32 s4, $0x1;
	s4 =	sadd.s32 s21, s2  }
0x9d: {  	[timem:s6], [sflag:s22] =	dma.local [hbm:s4], s20  }
0x9e: {  	_ =	swait.ge [sflag:s22], s20  }
0x9f: {  	s3 =	ssub.s32 $0x0, s20;
	[sflag:s22] =	ssyncset.done $0x0  }
0xa0: {  	[sflag:s22] =	ssyncadd.s32 s3;
	_ =	sdelay $0x1  }
0xa1: {  	s23 =	simm.s32 $0x1B8B  }
0xa2: {  	_ =	swait.ge [sflag:s23], $0x1  }
0xa3: {  	[sflag:s23] =	ssyncset.done $0x0  }
0xa4: {  	s25 =	simm.s32 $0x1B8E;
	s24 =	sld [smem:$0x3FFE];
	[sflag:s23] =	ssyncadd.s32 $0xFFFFFFFF  }
0xa5: {  	s26 =	simm.s32 $execute0_lowered;
	[smem:$0x3FD2] =	sst s25  }
0xa6: {  	s4 =	sshll.u32 s26, $0x1;
	_ =	strace $0x80000049;
	[dreg:$0x1] =	wrdreg $0xFFFFFFFF  }
0xa7: {  	s28 =	simm.s32 $_size_execute0_lowered;
	s2 =	sadd.s32 s2, s4;
	[dreg:$0x0] =	wrdreg $0x0  }
0xa8: {  	s4 =	sshll.u32 s28, $0x1;
	[dreg:$0x2] =	wrdreg s2  }
0xa9: {  	[dreg:$0x3] =	wrdreg s4  }
0xaa: {  	[dreg:$0x4] =	wrdreg $0xC0  }
0xab: {  	_ =	task [dreg:s6], $0x5FFFF  }
0xac: {  	[dreg:$0x1] =	wrdreg $0xFFFFFFFF  }
0xad: {  	[dreg:$0x0] =	wrdreg $0x60  }
0xae: {  	[dreg:$0x2] =	wrdreg s24  }
0xaf: {  	[dreg:$0x3] =	wrdreg $0x0  }
0xb0: {  	[dreg:$0x4] =	wrdreg $0x9  }
0xb1: {  	_ =	task.clear_ibuf [dreg:s6], $0x5FFFF;
	_ =	strace $0x90000049  }
0xb2: {  	s29 =	simm.s32 $0x9;
	_ =	strace $0x8000004B  }
0xb3: {  	_ =	swait.ge [sflag:s29], $0x1  }
0xb4: {  	[sflag:s29] =	ssyncadd.s32 $0xFFFFFFFF  }
0xb5: {  	_ =	strace $0x9000004B  }
0xb6: {  	_ =	sfence  }
0xb7: {  	s30 =	sld [smem:$0x0];
	_ =	sdelay $0x2  }
0xb8: {  	s31 =	sshll.u32 s1, $0xD;
	s1 =	sshrl.u32 s1, $0x2  }
0xb9: {  	s3 =	sand.u32 $0x4000, s31;
	s1 =	sadd.s32 s1, s30  }
0xba: {  	s0 =	sor.u32 s3, s0;
	s1 =	sshll.u32 s1, $0x11  }
0xbb: {  	s0 =	sor.u32 s1, s0  }
0xbc: {  	s0 =	sadd.s32 $0x8F2B, s0  }
0xbd: {  	[sflag:s0] =	ssyncadd.remote.s32 $0x1  }
0xbe: {  	_ =	sfence.sel $0xFFFF  }
0xbf: {  	[dreg:$0x0] =	wrdreg $0xFFFFFFFF;
	(pc) =	sbr.abs _section_cstart, $3  }
0xc0: {  	[dreg:$0x1] =	wrdreg $0xFFFFFFFF  }
0xc1: {  	_ =	task.clear_ibuf [dreg:s6], $0x2FFFF;
	_ =	strace $0x9FFFFFFF  }
0xc2: {  	(tm) =	ssettm $0x7FFFFFFF  }
0xc3: {  	_ =	shalt  }
tec
execute0_lowered:
.L_overlay_start_1:
0x0: {  	(tag) =	ssettag $0x1  }
0x1: {  	s0 =	rddreg [dreg:$0x0]  }
0x2: {  	s1 =	rddreg [dreg:$0x1];
	s3 =	simm.s32 $0x0  }
0x3: {  	s2 =	srdreg.scid;
	s12 =	stileid.u32;
	s30 =	simm.s32 $0x18990  }
0x4: {  	s31 =	simm.s32 $0x18CB0;
	s28 =	simm.s32 $0x0;
	s6 =	smul.u32 $0x620, s12  }
0x5: {  	[smem:$0x7FF] =	sst s3;
	s2 =	sand.u32 $0x1, s2;
	s29 =	smul.u32 $0x62000, s12  }
0x6: {  	s4 =	sadd.s32 $0x67200, s0;
	s7 =	sadd.s32 $0x3200, s0;
	s5 =	smul.u32 $0x6200, s2  }
0x7: {  	s8 =	sadd.s32 $0x35200, s0;
	s9 =	smul.u32 $0xC8000, s2;
	s2 =	ssub.s32 $0x2, s2  }
0x8: {  	s11 =	smul.u32 $0xC800, s12;
	_ =	strace $0x8000004A;
	s10 =	sshrl.u32 s2, $0x1  }
0x9: {  	s5 =	sadd.s32 s6, s5;
	s2 =	ssub.s32 s2, s10;
	s6 =	sshrl.u32 s29, $0x2  }
0xa: {  	s9 =	sadd.s32 s11, s9;
	s11 =	sshll.u32 s12, $0x6;
	s10 =	simm.s32 $0x5  }
0xb: {  	s5 =	sshll.u32 s5, $0x3;
	s6 =	sadd.s32 s6, s1;
	s17 =	sor.u32 $0x1C0D, s11  }
0xc: {  	s12 =	sshrl.u32 s9, $0x3;
	s19 =	sor.u32 $0x4B0, s9;
	s21 =	sor.u32 $0x3E8, s9  }
0xd: {  	s2 =	smax.u32 s2, $0x1;
	s25 =	sor.u32 $0x320, s9;
	s26 =	sor.u32 $0x258, s9  }
0xe: {  	s9 =	simm.s32 $0x1C040;
	s11 =	simm.s32 $0x18A58;
	[dreg:$0x3] =	wrdreg s6  }
0xf: {  	s0 =	sadd.s32 s5, s0;
	s5 =	sadd.s32 s4, s5;
	[dreg:$0xd] =	wrdreg s2  }
0x10: {  	s13 =	sadd.s32 s7, s12;
	s14 =	sadd.s32 s8, s12;
	[dreg:$0x5] =	wrdreg s17  }
0x11: {  	s15 =	sor.u32 $0x19, s12;
	s20 =	sshrl.u32 s19, $0x3;
	[dreg:$0x4] =	wrdreg s5  }
0x12: {  	s23 =	sshrl.u32 s21, $0x3;
	s29 =	sshrl.u32 s26, $0x3;
	[dreg:$0x6] =	wrdreg s13  }
0x13: {  	s2 =	simm.s32 $0xC8;
	s26 =	simm.s32 $0x8;
	[dreg:$0x7] =	wrdreg s14  }
0x14: {  	s16 =	sadd.s32 s7, s15;
	s6 =	sadd.s32 s8, s15;
	s5 =	sor.u32 $0x32, s12  }
0x15: {  	s0 =	sadd.s32 $0xC9200, s0;
	s22 =	sadd.s32 s20, s8;
	[dreg:$0x8] =	wrdreg s16  }
0x16: {  	s24 =	sadd.s32 s23, s8;
	s19 =	sadd.s32 s23, s7;
	[dreg:$0x9] =	wrdreg s6  }
0x17: {  	s23 =	sadd.s32 s29, s7;
	s12 =	simm.s32 $0x18D78;
	[dreg:$0xc] =	wrdreg s0  }
0x18: {  	s13 =	simm.s32 $0xA;
	s14 =	simm.s32 $0x3;
	[dreg:$0xe] =	wrdreg s22  }
0x19: {  	s15 =	simm.s32 $0xB;
	s18 =	sadd.s32 s7, s5;
	[dreg:$0x10] =	wrdreg s24  }
0x1a: {  	s5 =	sadd.s32 s8, s5;
	s0 =	sadd.s32 s20, s7;
	[dreg:$0xa] =	wrdreg s18  }
.Ltmp0:
0x1b: {  	s22 =	sadd.s32 s29, s8;
	[dreg:$0xb] =	wrdreg s5;
	(pc) =	sbr.rel .LBB2_1-.Ltmp0, $4  }
0x1c: {  	s6 =	simm.s32 $0x9;
	s24 =	simm.s32 $0x7;
	[dreg:$0xf] =	wrdreg s0  }
0x1d: {  	s0 =	sshrl.u32 s25, $0x3;
	s18 =	simm.s32 $0xD;
	s5 =	simm.s32 $0x18E40  }
0x1e: {  	s25 =	simm.s32 $0x6;
	s20 =	sadd.s32 s0, s8;
	s21 =	sadd.s32 s0, s7  }
0x1f: {  	s8 =	simm.s32 $0x2;
	s0 =	simm.s32 $0x4;
	s7 =	simm.s32 $0xC  }
.LBB2_4:
0x20: {  	_ =	swait.ge [sflag:s7], $0x3200  }
0x21: {  	[sflag:s7] =	ssyncset.done $0x0  }
0x22: {  	[sflag:s7] =	ssyncadd.s32 $0xFFFFCE00  }
0x23: {  	[bflag:$0x0] =	sbarrier.arrive $0xFFFF  }
0x24: {  	s17 =	rddreg [dreg:$0x5]  }
0x25: {  	s16 =	rddreg [dreg:$0xc]  }
0x26: {  	s18 =	rddreg [dreg:$0x12]  }
0x27: {  	[hbm:s16], [sflag:s17] =	dma.local [spmem:s18], $0x3100  }
0x28: {  	s18 =	simm.s32 $0xD  }
0x29: {  	_ =	swait.ge [sflag:s18], $0x3100  }
0x2a: {  	s28 =	rddreg [dreg:$0x11]  }
0x2b: {  	s29 =	rddreg [dreg:$0xd];
	s28 =	sadd.s32 $0x1, s28  }
0x2c: {  	p0 =	sne.s32 s28, s29  }
.Ltmp1:
0x2d: {  	_ = 	snop;
	(pc) =	sbr.rel @!p0 .LBB2_5-.Ltmp1, $3  }
0x2e: {  	_ =	sdelay $0x1  }
0x2f: {  	[sflag:s18] =	ssyncset.done $0x0  }
0x30: {  	[sflag:s18] =	ssyncadd.s32 $0xFFFFCF00  }
.LBB2_1:
0x31: {  	[dreg:$0x11] =	wrdreg s28  }
0x32: {  	s16 =	rddreg [dreg:$0x3]  }
0x33: {  	s29 =	rddreg [dreg:$0x4];
	s28 =	sshrl.u32 s16, $0x3  }
0x34: {  	[dreg:$0x12] =	wrdreg s28  }
0x35: {  	[spmem:s28], [sflag:s17] =	dma.local [hbm:s29], $0x3100  }
0x36: {  	_ =	swait.ge [sflag:s18], $0x3100  }
0x37: {  	[sflag:s18] =	ssyncset.done $0x0  }
0x38: {  	[sflag:s18] =	ssyncadd.s32 $0xFFFFCF00  }
0x39: {  	[bflag:$0x0] =	sbarrier.arrive $0xFFFF  }
0x3a: {  	s17 =	simm.s32 $0x18800;
	s29 =	rddreg [dreg:$0x6]  }
0x3b: {  	[tilespmem:s17], [sflag:$0x1] =	stream.linear.gather [hbm4b:s29+s3], $0xC8, $0x38;
	[tilespmem:$0x1F240] =	vst v63  }
0x3c: {  	s18 =	rddreg [dreg:$0x7];
	s29 =	simm.s32 $0x18B20  }
0x3d: {  	[tilespmem:s29], [sflag:$0x5] =	stream.linear.gather [hbm4b:s18+s3], $0xC8, $0x38;
	[tilespmem:$0x1F240] =	vst v63  }
0x3e: {  	s18 =	rddreg [dreg:$0x8];
	s29 =	simm.s32 $0x188C8  }
0x3f: {  	[tilespmem:s29], [sflag:$0x2] =	stream.linear.gather [hbm4b:s18+s3], $0xC8, $0x38;
	[tilespmem:$0x1F240] =	vst v63  }
0x40: {  	s18 =	rddreg [dreg:$0x9];
	s29 =	simm.s32 $0x18BE8  }
0x41: {  	[tilespmem:s29], [sflag:$0x6] =	stream.linear.gather [hbm4b:s18+s3], $0xC8, $0x38;
	[tilespmem:$0x1F240] =	vst v63  }
0x42: {  	s29 =	rddreg [dreg:$0xa]  }
0x43: {  	[tilespmem:s30], [sflag:$0x3] =	stream.linear.gather [hbm4b:s29+s3], $0xC8, $0x38;
	[tilespmem:$0x1F240] =	vst v63  }
0x44: {  	s18 =	rddreg [dreg:$0xb];
	s29 =	simm.s32 $0x1  }
0x45: {  	[tilespmem:s31], [sflag:$0x7] =	stream.linear.gather [hbm4b:s18+s3], $0xC8, $0x38;
	[tilespmem:$0x1F240] =	vst v63  }
0x46: {  	_ =	swait.ge [sflag:s29], $0xC8  }
0x47: {  	[sflag:s29] =	ssyncset.done $0x0  }
0x48: {  	s28 =	simm.s32 $0x0;
	[sflag:s29] =	ssyncadd.s32 $0xFFFFFF38  }
0x49: {  	[tilespmem:s5], [sflag:$0x9] =	stream.indirect.gather [hbm4b:s4+s2], $0x40, s17, s2, $0xb8;
	[tilespmem:$0x1F240] =	vst v63  }
.LBB2_2:
0x4a: {  	_ =	swait.ge [sflag:s6], $0x3200  }
0x4b: {  	[sflag:s6] =	ssyncset.done $0x0  }
0x4c: {  	[sflag:s6] =	ssyncadd.s32 $0xFFFFCE00  }
0x4d: {  	_ =	swait.ge [sflag:s8], $0xC8  }
0x4e: {  	p0 =	seq.s32 s28, $0x0;
	[sflag:s8] =	ssyncset.done $0x0  }
0x4f: {  	s29 =	simm.s32 @!p0 $0xC;
	[sflag:s8] =	ssyncadd.s32 $0xFFFFFF38  }
0x50: {  	_ =	swait.ge @!p0 [sflag:s29], $0x3200  }
0x51: {  	[sflag:s29] =	ssyncset.done @!p0 $0x0  }
0x52: {  	s16 =	simm.s32 $0x188C8;
	[sflag:s29] =	ssyncadd.s32 @!p0 $0xFFFFCE00  }
0x53: {  	[tilespmem:s9], [sflag:$0xA] =	stream.indirect.gather [hbm4b:s4+s2], $0x40, s16, s2, $0xb8;
	[tilespmem:$0x1F240] =	vst v63  }
0x54: {  	_ =	swait.ge [sflag:s10], $0xC8  }
0x55: {  	[sflag:s10] =	ssyncset.done $0x0  }
0x56: {  	s29 =	simm.s32 $0x18B20;
	[sflag:s10] =	ssyncadd.s32 $0xFFFFFF38  }
0x57: {  	[spmem:s1] =	stream.indirect.scatter.add.f32 [tilespmem:s5], [sflag:$0xB], $0x40, s29, s2, $0xb8;
	[tilespmem:$0x1F240] =	vst v63  }
0x58: {  	s17 =	sadd.s32 s28, s23  }
0x59: {  	[tilespmem:s11], [sflag:$0x4] =	stream.linear.gather [hbm4b:s17+s3], $0xC8, $0x38;
	[tilespmem:$0x1F240] =	vst v63  }
0x5a: {  	s18 =	sadd.s32 s28, s22  }
0x5b: {  	[tilespmem:s12], [sflag:$0x8] =	stream.linear.gather [hbm4b:s18+s3], $0xC8, $0x38;
	[tilespmem:$0x1F240] =	vst v63  }
0x5c: {  	_ =	swait.ge [sflag:s13], $0x3200  }
0x5d: {  	[sflag:s13] =	ssyncset.done $0x0  }
0x5e: {  	[sflag:s13] =	ssyncadd.s32 $0xFFFFCE00  }
0x5f: {  	_ =	swait.ge [sflag:s14], $0xC8  }
0x60: {  	[sflag:s14] =	ssyncset.done $0x0  }
0x61: {  	[sflag:s14] =	ssyncadd.s32 $0xFFFFFF38  }
0x62: {  	_ =	swait.ge [sflag:s15], $0x3200  }
0x63: {  	[sflag:s15] =	ssyncset.done $0x0  }
0x64: {  	[sflag:s15] =	ssyncadd.s32 $0xFFFFCE00  }
0x65: {  	[tilespmem:s5], [sflag:$0x9] =	stream.indirect.gather [hbm4b:s4+s2], $0x40, s30, s2, $0xb8;
	[tilespmem:$0x1F240] =	vst v63  }
0x66: {  	_ =	swait.ge [sflag:s25], $0xC8  }
0x67: {  	[sflag:s25] =	ssyncset.done $0x0  }
0x68: {  	p0 =	seq.s32 s28, $0x189C;
	s29 =	simm.s32 $0x18BE8;
	[sflag:s25] =	ssyncadd.s32 $0xFFFFFF38  }
0x69: {  	[spmem:s1] =	stream.indirect.scatter.add.f32 [tilespmem:s9], [sflag:$0xC], $0x40, s29, s2, $0xb8;
	[tilespmem:$0x1F240] =	vst v63  }
0x6a: {  	s16 =	simm.s32 @!p0 $0x0;
	s17 =	simm.s32 @!p0 $0x18800;
	s29 =	sadd.s32 @!p0 s28, s21  }
0x6b: {  	[tilespmem:s17], [sflag:$0x1] =	stream.linear.gather @!p0 [hbm4b:s29+s16], $0xC8, $0x38;
	[tilespmem:$0x1F240] =	vst v63  }
0x6c: {  	s18 =	simm.s32 @!p0 $0x18B20;
	s29 =	sadd.s32 @!p0 s28, s20  }
0x6d: {  	[tilespmem:s18], [sflag:$0x5] =	stream.linear.gather @!p0 [hbm4b:s29+s16], $0xC8, $0x38;
	[tilespmem:$0x1F240] =	vst v63  }
0x6e: {  	_ =	swait.ge [sflag:s6], $0x3200  }
0x6f: {  	[sflag:s6] =	ssyncset.done $0x0  }
0x70: {  	[sflag:s6] =	ssyncadd.s32 $0xFFFFCE00  }
0x71: {  	_ =	swait.ge [sflag:s0], $0xC8  }
0x72: {  	[sflag:s0] =	ssyncset.done $0x0  }
0x73: {  	[sflag:s0] =	ssyncadd.s32 $0xFFFFFF38  }
0x74: {  	_ =	swait.ge [sflag:s7], $0x3200  }
0x75: {  	[sflag:s7] =	ssyncset.done $0x0  }
0x76: {  	[sflag:s7] =	ssyncadd.s32 $0xFFFFCE00  }
0x77: {  	[tilespmem:s9], [sflag:$0xA] =	stream.indirect.gather [hbm4b:s4+s2], $0x40, s11, s2, $0xb8;
	[tilespmem:$0x1F240] =	vst v63  }
0x78: {  	_ =	swait.ge [sflag:s24], $0xC8  }
0x79: {  	[sflag:s24] =	ssyncset.done $0x0  }
0x7a: {  	s18 =	simm.s32 @p0 $0xA;
	[sflag:s24] =	ssyncadd.s32 $0xFFFFFF38  }
0x7b: {  	[spmem:s1] =	stream.indirect.scatter.add.f32 [tilespmem:s5], [sflag:$0xB], $0x40, s31, s2, $0xb8;
	[tilespmem:$0x1F240] =	vst v63  }
0x7c: {  	_ =	swait.ge @p0 [sflag:s18], $0x3200  }
0x7d: {  	[sflag:s18] =	ssyncset.done @p0 $0x0  }
0x7e: {  	[sflag:s18] =	ssyncadd.s32 @p0 $0xFFFFCE00;
	s18 =	simm.s32 @p0 $0xB  }
0x7f: {  	_ =	swait.ge @p0 [sflag:s18], $0x3200  }
0x80: {  	[sflag:s18] =	ssyncset.done @p0 $0x0  }
0x81: {  	s29 =	simm.s32 @!p0 $0x188C8;
	[sflag:s18] =	ssyncadd.s32 @p0 $0xFFFFCE00;
	s18 =	sadd.s32 @!p0 s28, s19  }
0x82: {  	[tilespmem:s29], [sflag:$0x2] =	stream.linear.gather @!p0 [hbm4b:s18+s16], $0xC8, $0x38;
	[tilespmem:$0x1F240] =	vst v63  }
0x83: {  	s18 =	rddreg [dreg:$0x10]  }
0x84: {  	s29 =	simm.s32 @!p0 $0x18BE8;
	s18 =	sadd.s32 @!p0 s28, s18  }
0x85: {  	[tilespmem:s29], [sflag:$0x6] =	stream.linear.gather @!p0 [hbm4b:s18+s16], $0xC8, $0x38;
	[tilespmem:$0x1F240] =	vst v63  }
0x86: {  	s16 =	simm.s32 @!p0 $0xA  }
0x87: {  	_ =	swait.ge @!p0 [sflag:s16], $0x3200  }
0x88: {  	[sflag:s16] =	ssyncset.done @!p0 $0x0  }
0x89: {  	[sflag:s16] =	ssyncadd.s32 @!p0 $0xFFFFCE00;
	s16 =	simm.s32 @!p0 $0x1  }
0x8a: {  	_ =	swait.ge @!p0 [sflag:s16], $0xC8  }
0x8b: {  	[sflag:s16] =	ssyncset.done @!p0 $0x0  }
0x8c: {  	[sflag:s16] =	ssyncadd.s32 @!p0 $0xFFFFFF38;
	s16 =	simm.s32 @!p0 $0xB  }
0x8d: {  	_ =	swait.ge @!p0 [sflag:s16], $0x3200  }
0x8e: {  	[sflag:s16] =	ssyncset.done @!p0 $0x0  }
0x8f: {  	s18 =	simm.s32 @!p0 $0x18E40;
	[sflag:s16] =	ssyncadd.s32 @!p0 $0xFFFFCE00;
	s16 =	simm.s32 @!p0 $0xC8  }
0x90: {  	[tilespmem:s18], [sflag:$0x9] =	stream.indirect.gather @!p0 [hbm4b:s4+s16], $0x40, s17, s16, $0xb8;
	[tilespmem:$0x1F240] =	vst v63  }
.Ltmp2:
0x91: {  	_ = 	snop;
	(pc) =	sbr.rel @p0 .LBB2_4-.Ltmp2, $4  }
0x92: {  	_ =	swait.ge [sflag:s26], $0xC8  }
0x93: {  	[sflag:s26] =	ssyncset.done $0x0  }
0x94: {  	[sflag:s26] =	ssyncadd.s32 $0xFFFFFF38  }
0x95: {  	[spmem:s1] =	stream.indirect.scatter.add.f32 [tilespmem:s9], [sflag:$0xC], $0x40, s12, s2, $0xb8;
	[tilespmem:$0x1F240] =	vst v63  }
.Ltmp3:
0x96: {  	s16 =	rddreg [dreg:$0xf];
	(pc) =	sbr.rel .LBB2_2-.Ltmp3, $4  }
0x97: {  	s29 =	rddreg [dreg:$0xe];
	s16 =	sadd.s32 s28, s16  }
0x98: {  	[tilespmem:s30], [sflag:$0x3] =	stream.linear.gather [hbm4b:s16+s3], $0xC8, $0x38;
	[tilespmem:$0x1F240] =	vst v63  }
0x99: {  	s16 =	sadd.s32 s28, s29;
	s28 =	sadd.s32 $0x64, s28  }
0x9a: {  	[tilespmem:s31], [sflag:$0x7] =	stream.linear.gather [hbm4b:s16+s3], $0xC8, $0x38;
	[tilespmem:$0x1F240] =	vst v63  }
.LBB2_5:
0x9b: {  	_ =	sfence.sel $0x180000  }
0x9c: {  	[bflag:$0x0] =	sbarrier.arrive $0xFFFF  }
0x9d: {  	_ =	strace $0x9000004A  }
0x9e: {  	s0 =	stileid.u32;
	[bflag:$0x2] =	sbarrier.arrive $0xFFFF  }
0x9f: {  	p0 =	sne.s32 s0, $0x0;
	s0 =	rddreg [dreg:$0x2]  }
0xa0: {  	s0 =	sadd.s32 @!p0 $0x100000, s0  }
0xa1: {  	[sflag:s0] =	ssyncadd.tile.s32 @!p0 $0x1;
	_ =	shalt  }
.Lfunc_end2:
_tile_overlayer_lowered:
.L_overlay_start_2:
0xa2: {  	(tag) =	ssettag $0x2  }
0xa3: {  	s0 =	rddreg [dreg:$0x0];
	s2 =	stileid.u32  }
0xa4: {  	s1 =	rddreg [dreg:$0x1];
	p0 =	sne.s32 s2, $0x0  }
0xa5: {  	s3 =	rddreg [dreg:$0x2];
	[bflag:$0x3] =	sbarrier.arrive $0xFFFF;
	s2 =	simm.s32 @!p0 $0x1C0D  }
0xa6: {  	[timem:s3], [sflag:s2] =	dma.local @!p0 [hbm:s0], s1  }
0xa7: {  	s0 =	simm.s32 @!p0 $0xD  }
0xa8: {  	_ =	swait.ge @!p0 [sflag:s0], s1  }
0xa9: {  	s1 =	ssub.s32 @!p0 $0x0, s1;
	[sflag:s0] =	ssyncset.done @!p0 $0x0  }
0xaa: {  	[sflag:s0] =	ssyncadd.s32 @!p0 s1  }
0xab: {  	[bflag:$0x3] =	sbarrier.arrive $0xFFFF  }
0xac: {  	_ =	shalt  }

// kernel: kernel.14.cloned.1.call-start
scs
__scs_entry_jumppad:
0x0: {  	(pc) =	sbr.rel $0x88, $3  }
0x1: {  	(tag) =	ssettag $0x0;
	lr =	simm.s32 $0x1  }
0x2: {  	[smem:$0x3F9A] =	sst lr;
	_ =	strace $0xD0000000  }
0x3: {  	_ = 	snop  }
0x4: {  	_ = 	snop  }
0x5: {  	_ = 	snop  }
0x6: {  	_ = 	snop  }
0x7: {  	_ = 	snop  }
__scs_overlays_trampoline_lowered:
0x8: {  	[smem:$0x3FA9] =	sst s0  }
0x9: {  	[smem:$0x3FAA] =	sst s1  }
0xa: {  	[smem:$0x3FAB] =	sst s2  }
0xb: {  	[smem:$0x3FAC] =	sst s3  }
0xc: {  	[smem:$0x3FAD] =	sst s4  }
0xd: {  	[smem:$0x3FAE] =	sst s5  }
0xe: {  	[smem:$0x3FAF] =	sst s6  }
0xf: {  	[smem:$0x3FB0] =	sst s7  }
0x10: {  	[smem:$0x3FB1] =	sst s8  }
0x11: {  	[smem:$0x3FB2] =	sst s9;
	s0 =	simm.s32 @!p0 $0x0  }
0x12: {  	s1 =	sld [smem:$0x3F98];
	s0 =	simm.s32 @p0 $0x1  }
0x13: {  	[smem:$0x3FB3] =	sst s0;
	s0 =	simm.s32 @!p1 $0x0  }
0x14: {  	s2 =	sld [smem:$0x3F97];
	s0 =	simm.s32 @p1 $0x1  }
0x15: {  	[smem:$0x3FB4] =	sst s0;
	s0 =	simm.s32 @!p2 $0x0  }
0x16: {  	s3 =	sld [smem:$0x3FDB];
	s0 =	simm.s32 @p2 $0x1  }
0x17: {  	s4 =	simm.s32 $0x1BF5;
	[smem:$0x3FB6] =	sst s0  }
0x18: {  	s0 =	sld [smem:$0x3F99];
	_ =	swait.ge [sflag:s4], $0x0  }
0x19: {  	s7 =	sld [smem:$0x3F9A]  }
0x1a: {  	s8 =	sadd.s32 $0xFFFFE003, lr  }
0x1b: {  	s9 =	sadd.s32 $0xFFFFFEF7, lr;
	s5 =	simm.s32 $0xFFFFFFFF;
	p2 =	slt.u32 s8, $0xFFFFF086  }
0x1c: {  	p1 =	slt.u32 s9, $0xF7A;
	s5 =	simm.s32 @!p2 $0x0  }
0x1d: {  	s5 =	simm.s32 @p1 $0x1;
	p0 =	seq.s32 s7, s2  }
0x1e: {  	s7 =	smul.u32 @!p0 $0xF7A, s2;
	p2 =	seq.s32 @!p0 s5, $0x0  }
0x1f: {  	s9 =	smul.u32 $0xF7A, s1;
	s8 =	simm.s32 @!p0 $0x1BF5;
	p2 =	por !p2, p0  }
0x20: {  	[sflag:s8] =	ssyncset.s32 @!p0 $0xFFFFF086;
	s6 =	sadd.s32 @!p0 s3, s7;
	s7 =	simm.s32 @!p0 $0x108  }
0x21: {  	s3 =	sadd.s32 s3, s9;
	s6 =	sadd.s32 @!p0 $0x88, s6;
	s7 =	simm.s32 @p2 $0x1082  }
0x22: {  	[simem:s7], [sflag:s8] =	dma.local @!p0 [hbm:s6], $0xF7A  }
0x23: {  	s9 =	sor.u32 $0xD0000000, s2;
	s6 =	simm.s32 $0x108;
	_ =	swait.ge @!p0 [sflag:s8], $0x0  }
0x24: {  	s3 =	sadd.s32 $0x88, s3;
	s6 =	simm.s32 @!p1 $0x1082;
	[sflag:s4] =	ssyncset.s32 $0xFFFFF086  }
0x25: {  	[simem:s6], [sflag:s4] =	dma.local [hbm:s3], $0xF7A  }
0x26: {  	[smem:$0x3F9A] =	sst s1;
	(tag) =	ssettag s2;
	_ =	strace s9  }
0x27: {  	s1 =	sld [smem:$0x3FAA]  }
0x28: {  	s2 =	sld [smem:$0x3FAB]  }
0x29: {  	s4 =	sld [smem:$0x3FAD]  }
0x2a: {  	p0 =	seq.s32 s5, $0x0;
	s5 =	sld [smem:$0x3FAE]  }
0x2b: {  	s6 =	sld [smem:$0x3FAF]  }
0x2c: {  	s7 =	sld [smem:$0x3FB0]  }
0x2d: {  	s3 =	simm.s32 $0x108;
	s8 =	sld [smem:$0x3FB1]  }
0x2e: {  	s3 =	simm.s32 @!p0 $0x1082;
	s9 =	sld [smem:$0x3FB2]  }
0x2f: {  	lr =	sadd.s32 s0, s3;
	s0 =	sld [smem:$0x3FA9]  }
0x30: {  	s3 =	sld [smem:$0x3FAC]  }
0x31: {  	[smem:$0x3FB5] =	sst s10  }
0x32: {  	s10 =	sld [smem:$0x3FB3];
	_ =	sdelay $0x3  }
0x33: {  	p0 =	seq.s32 s10, $0x1;
	s10 =	sld [smem:$0x3FB5];
	_ =	sdelay $0x3  }
0x34: {  	[smem:$0x3FB5] =	sst s10  }
0x35: {  	s10 =	sld [smem:$0x3FB4];
	_ =	sdelay $0x3  }
0x36: {  	p1 =	seq.s32 s10, $0x1;
	s10 =	sld [smem:$0x3FB5];
	_ =	sdelay $0x3  }
0x37: {  	[smem:$0x3FB5] =	sst s10  }
0x38: {  	s10 =	sld [smem:$0x3FB6]  }
0x39: {  	_ = 	snop;
	(pc) =	sbr.ind lr, $3  }
0x3a: {  	_ = 	snop  }
0x3b: {  	_ = 	snop  }
0x3c: {  	p2 =	seq.s32 s10, $0x1;
	s10 =	sld [smem:$0x3FB5]  }
0x3d: {  	_ =	shalt  }
0x3e: {  	_ =	shalt  }
0x3f: {  	_ =	shalt  }
0x40: {  	_ =	shalt  }
0x41: {  	_ =	shalt  }
0x42: {  	_ =	shalt  }
0x43: {  	_ =	shalt  }
0x44: {  	_ =	shalt  }
0x45: {  	_ =	shalt  }
0x46: {  	_ =	shalt  }
0x47: {  	_ =	shalt  }
0x48: {  	_ =	shalt  }
0x49: {  	_ =	shalt  }
0x4a: {  	_ =	shalt  }
0x4b: {  	_ =	shalt  }
0x4c: {  	_ =	shalt  }
0x4d: {  	_ =	shalt  }
0x4e: {  	_ =	shalt  }
0x4f: {  	_ =	shalt  }
0x50: {  	_ =	shalt  }
0x51: {  	_ =	shalt  }
0x52: {  	_ =	shalt  }
0x53: {  	_ =	shalt  }
0x54: {  	_ =	shalt  }
0x55: {  	_ =	shalt  }
0x56: {  	_ =	shalt  }
0x57: {  	_ =	shalt  }
0x58: {  	_ =	shalt  }
0x59: {  	_ =	shalt  }
0x5a: {  	_ =	shalt  }
0x5b: {  	_ =	shalt  }
0x5c: {  	_ =	shalt  }
0x5d: {  	_ =	shalt  }
0x5e: {  	_ =	shalt  }
0x5f: {  	_ =	shalt  }
0x60: {  	_ =	shalt  }
0x61: {  	_ =	shalt  }
0x62: {  	_ =	shalt  }
0x63: {  	_ =	shalt  }
0x64: {  	_ =	shalt  }
0x65: {  	_ =	shalt  }
0x66: {  	_ =	shalt  }
0x67: {  	_ =	shalt  }
0x68: {  	_ =	shalt  }
0x69: {  	_ =	shalt  }
0x6a: {  	_ =	shalt  }
0x6b: {  	_ =	shalt  }
0x6c: {  	_ =	shalt  }
0x6d: {  	_ =	shalt  }
0x6e: {  	_ =	shalt  }
0x6f: {  	_ =	shalt  }
0x70: {  	_ =	shalt  }
0x71: {  	_ =	shalt  }
0x72: {  	_ =	shalt  }
0x73: {  	_ =	shalt  }
0x74: {  	_ =	shalt  }
0x75: {  	_ =	shalt  }
0x76: {  	_ =	shalt  }
0x77: {  	_ =	shalt  }
0x78: {  	_ =	shalt  }
0x79: {  	_ =	shalt  }
0x7a: {  	_ =	shalt  }
0x7b: {  	_ =	shalt  }
0x7c: {  	_ =	shalt  }
0x7d: {  	_ =	shalt  }
0x7e: {  	_ =	shalt  }
0x7f: {  	_ =	shalt  }
0x80: {  	_ =	shalt  }
0x81: {  	_ =	shalt  }
0x82: {  	_ =	shalt  }
0x83: {  	_ =	shalt  }
0x84: {  	_ =	shalt  }
0x85: {  	_ =	shalt  }
0x86: {  	_ =	shalt  }
0x87: {  	_ =	shalt  }
.Lfunc_end0:
.L_simem_size_0:
called_computation.2_lowered:
.L_overlay_start_0:
0x88: {  	s2 =	sld [smem:$0x3FD9]  }
0x89: {  	s3 =	sld [smem:$0x3FFE];
	_ =	sdelay $0x1  }
0x8a: {  	s1 =	srdreg.scid  }
0x8b: {  	s0 =	sand.u32 $0x1, s1  }
0x8c: {  	s16 =	sshll.u32 s0, $0xA;
	s2 =	sadd.s32 s3, s2  }
0x8d: {  	s2 =	sadd.s32 s2, s16  }
0x8e: {  	[smem:$0x3FC1] =	sst s2  }
0x8f: {  	_ = 	snop  }
0x90: {  	(tm) =	ssettm $0x1  }
0x91: {  	s17 =	sld [smem:$0x3FFB];
	_ =	sdelay $0x3  }
0x92: {  	_ =	strace s17  }
0x93: {  	s2 =	sld [smem:$0x3FFC];
	_ =	sdelay $0x3  }
0x94: {  	_ =	strace s2  }
0x95: {  	s2 =	sld [smem:$0x3FFD];
	_ =	sdelay $0x3  }
0x96: {  	_ =	strace s2  }
0x97: {  	_ =	strace $0x8FFFFFFF  }
0x98: {  	s18 =	sld [smem:$0x3FDB];
	_ =	sdelay $0x1  }
0x99: {  	s19 =	simm.s32 $_scs_section_size  }
0x9a: {  	s4 =	simm.s32 $_size__tile_overlayer_lowered;
	s5 =	simm.s32 $_tile_overlayer_lowered  }
0x9b: {  	s22 =	simm.s32 $0x1BFF;
	s21 =	sshll.u32 s5, $0x1;
	s2 =	sadd.s32 s19, s18  }
0x9c: {  	s6 =	simm.s32 $0x0;
	s20 =	sshll.u32 s4, $0x1;
	s4 =	sadd.s32 s21, s2  }
0x9d: {  	[timem:s6], [sflag:s22] =	dma.local [hbm:s4], s20  }
0x9e: {  	_ =	swait.ge [sflag:s22], s20  }
0x9f: {  	s3 =	ssub.s32 $0x0, s20;
	[sflag:s22] =	ssyncset.done $0x0  }
0xa0: {  	[sflag:s22] =	ssyncadd.s32 s3;
	_ =	sdelay $0x1  }
0xa1: {  	s23 =	simm.s32 $0x1B8B  }
0xa2: {  	_ =	swait.ge [sflag:s23], $0x1  }
0xa3: {  	[sflag:s23] =	ssyncset.done $0x0  }
0xa4: {  	s25 =	simm.s32 $0x1B8E;
	s24 =	sld [smem:$0x3FFE];
	[sflag:s23] =	ssyncadd.s32 $0xFFFFFFFF  }
0xa5: {  	s26 =	simm.s32 $execute0_lowered;
	[smem:$0x3FD2] =	sst s25  }
0xa6: {  	s4 =	sshll.u32 s26, $0x1;
	_ =	strace $0x8000004C;
	[dreg:$0x1] =	wrdreg $0xFFFFFFFF  }
0xa7: {  	s28 =	simm.s32 $_size_execute0_lowered;
	s2 =	sadd.s32 s2, s4;
	[dreg:$0x0] =	wrdreg $0x0  }
0xa8: {  	s4 =	sshll.u32 s28, $0x1;
	[dreg:$0x2] =	wrdreg s2  }
0xa9: {  	[dreg:$0x3] =	wrdreg s4  }
0xaa: {  	[dreg:$0x4] =	wrdreg $0xC0  }
0xab: {  	_ =	task [dreg:s6], $0x5FFFF  }
0xac: {  	[dreg:$0x1] =	wrdreg $0xFFFFFFFF  }
0xad: {  	[dreg:$0x0] =	wrdreg $0x60  }
0xae: {  	[dreg:$0x2] =	wrdreg s24  }
0xaf: {  	[dreg:$0x3] =	wrdreg $0x0  }
0xb0: {  	[dreg:$0x4] =	wrdreg $0x9  }
0xb1: {  	_ =	task.clear_ibuf [dreg:s6], $0x5FFFF;
	_ =	strace $0x9000004C  }
0xb2: {  	s29 =	simm.s32 $0x9;
	_ =	strace $0x8000004E  }
0xb3: {  	_ =	swait.ge [sflag:s29], $0x1  }
0xb4: {  	[sflag:s29] =	ssyncadd.s32 $0xFFFFFFFF  }
0xb5: {  	_ =	strace $0x9000004E  }
0xb6: {  	_ =	sfence  }
0xb7: {  	s30 =	sld [smem:$0x0];
	_ =	sdelay $0x2  }
0xb8: {  	s31 =	sshll.u32 s1, $0xD;
	s1 =	sshrl.u32 s1, $0x2  }
0xb9: {  	s3 =	sand.u32 $0x4000, s31;
	s1 =	sadd.s32 s1, s30  }
0xba: {  	s0 =	sor.u32 s3, s0;
	s1 =	sshll.u32 s1, $0x11  }
0xbb: {  	s0 =	sor.u32 s1, s0  }
0xbc: {  	s0 =	sadd.s32 $0x8F2B, s0  }
0xbd: {  	[sflag:s0] =	ssyncadd.remote.s32 $0x1  }
0xbe: {  	_ =	sfence.sel $0xFFFF  }
0xbf: {  	[dreg:$0x0] =	wrdreg $0xFFFFFFFF;
	(pc) =	sbr.abs _section_cstart, $3  }
0xc0: {  	[dreg:$0x1] =	wrdreg $0xFFFFFFFF  }
0xc1: {  	_ =	task.clear_ibuf [dreg:s6], $0x2FFFF;
	_ =	strace $0x9FFFFFFF  }
0xc2: {  	(tm) =	ssettm $0x7FFFFFFF  }
0xc3: {  	_ =	shalt  }
tec
execute0_lowered:
.L_overlay_start_1:
0x0: {  	(tag) =	ssettag $0x1  }
0x1: {  	s0 =	rddreg [dreg:$0x0]  }
0x2: {  	s1 =	rddreg [dreg:$0x1];
	s2 =	simm.s32 $0x0  }
0x3: {  	s3 =	srdreg.scid;
	s12 =	stileid.u32;
	s30 =	simm.s32 $0x18990  }
0x4: {  	s31 =	simm.s32 $0x18CB0;
	s28 =	simm.s32 $0x0;
	s6 =	smul.u32 $0x620, s12  }
0x5: {  	[smem:$0x7FF] =	sst s2;
	s3 =	sand.u32 $0x1, s3;
	s29 =	smul.u32 $0x62000, s12  }
0x6: {  	s4 =	sadd.s32 $0x1EF200, s0;
	s7 =	sadd.s32 $0x3200, s0;
	s5 =	smul.u32 $0x6200, s3  }
0x7: {  	s8 =	sadd.s32 $0x35200, s0;
	s9 =	smul.u32 $0xC8000, s3;
	s3 =	ssub.s32 $0x2, s3  }
0x8: {  	s11 =	smul.u32 $0xC800, s12;
	_ =	strace $0x8000004D;
	s10 =	sshrl.u32 s3, $0x1  }
0x9: {  	s5 =	sadd.s32 s6, s5;
	s3 =	ssub.s32 s3, s10;
	s6 =	sshrl.u32 s29, $0x2  }
0xa: {  	s9 =	sadd.s32 s11, s9;
	s11 =	sshll.u32 s12, $0x6;
	s10 =	simm.s32 $0x5  }
0xb: {  	s5 =	sshll.u32 s5, $0x3;
	s6 =	sadd.s32 s6, s1;
	s17 =	sor.u32 $0x1C0D, s11  }
0xc: {  	s12 =	sshrl.u32 s9, $0x3;
	s19 =	sor.u32 $0x4B0, s9;
	s21 =	sor.u32 $0x3E8, s9  }
0xd: {  	s3 =	smax.u32 s3, $0x1;
	s25 =	sor.u32 $0x320, s9;
	s26 =	sor.u32 $0x258, s9  }
0xe: {  	s9 =	simm.s32 $0x1C040;
	s11 =	simm.s32 $0x18A58;
	[dreg:$0x3] =	wrdreg s6  }
0xf: {  	s0 =	sadd.s32 s5, s0;
	s5 =	sadd.s32 s4, s5;
	[dreg:$0xd] =	wrdreg s3  }
0x10: {  	s13 =	sadd.s32 s7, s12;
	s14 =	sadd.s32 s8, s12;
	[dreg:$0x5] =	wrdreg s17  }
0x11: {  	s15 =	sor.u32 $0x19, s12;
	s20 =	sshrl.u32 s19, $0x3;
	[dreg:$0x4] =	wrdreg s5  }
0x12: {  	s23 =	sshrl.u32 s21, $0x3;
	s29 =	sshrl.u32 s26, $0x3;
	[dreg:$0x6] =	wrdreg s13  }
0x13: {  	s3 =	simm.s32 $0xC8;
	s26 =	simm.s32 $0x8;
	[dreg:$0x7] =	wrdreg s14  }
0x14: {  	s16 =	sadd.s32 s7, s15;
	s6 =	sadd.s32 s8, s15;
	s5 =	sor.u32 $0x32, s12  }
0x15: {  	s0 =	sadd.s32 $0x67200, s0;
	s22 =	sadd.s32 s20, s8;
	[dreg:$0x8] =	wrdreg s16  }
0x16: {  	s24 =	sadd.s32 s23, s8;
	s19 =	sadd.s32 s23, s7;
	[dreg:$0x9] =	wrdreg s6  }
0x17: {  	s23 =	sadd.s32 s29, s7;
	s12 =	simm.s32 $0x18D78;
	[dreg:$0xc] =	wrdreg s0  }
0x18: {  	s13 =	simm.s32 $0xA;
	s14 =	simm.s32 $0x3;
	[dreg:$0xe] =	wrdreg s22  }
0x19: {  	s15 =	simm.s32 $0xB;
	s18 =	sadd.s32 s7, s5;
	[dreg:$0x10] =	wrdreg s24  }
0x1a: {  	s5 =	sadd.s32 s8, s5;
	s0 =	sadd.s32 s20, s7;
	[dreg:$0xa] =	wrdreg s18  }
.Ltmp0:
0x1b: {  	s22 =	sadd.s32 s29, s8;
	[dreg:$0xb] =	wrdreg s5;
	(pc) =	sbr.rel .LBB2_1-.Ltmp0, $4  }
0x1c: {  	s6 =	simm.s32 $0x9;
	s24 =	simm.s32 $0x7;
	[dreg:$0xf] =	wrdreg s0  }
0x1d: {  	s0 =	sshrl.u32 s25, $0x3;
	s18 =	simm.s32 $0xD;
	s5 =	simm.s32 $0x18E40  }
0x1e: {  	s25 =	simm.s32 $0x6;
	s20 =	sadd.s32 s0, s8;
	s21 =	sadd.s32 s0, s7  }
0x1f: {  	s8 =	simm.s32 $0x2;
	s0 =	simm.s32 $0x4;
	s7 =	simm.s32 $0xC  }
.LBB2_4:
0x20: {  	_ =	swait.ge [sflag:s7], $0x3200  }
0x21: {  	[sflag:s7] =	ssyncset.done $0x0  }
0x22: {  	[sflag:s7] =	ssyncadd.s32 $0xFFFFCE00  }
0x23: {  	[bflag:$0x0] =	sbarrier.arrive $0xFFFF  }
0x24: {  	s17 =	rddreg [dreg:$0x5]  }
0x25: {  	s16 =	rddreg [dreg:$0xc]  }
0x26: {  	s18 =	rddreg [dreg:$0x12]  }
0x27: {  	[hbm:s16], [sflag:s17] =	dma.local [spmem:s18], $0x3100  }
0x28: {  	s18 =	simm.s32 $0xD  }
0x29: {  	_ =	swait.ge [sflag:s18], $0x3100  }
0x2a: {  	s28 =	rddreg [dreg:$0x11]  }
0x2b: {  	s29 =	rddreg [dreg:$0xd];
	s28 =	sadd.s32 $0x1, s28  }
0x2c: {  	p0 =	sne.s32 s28, s29  }
.Ltmp1:
0x2d: {  	_ = 	snop;
	(pc) =	sbr.rel @!p0 .LBB2_5-.Ltmp1, $3  }
0x2e: {  	_ =	sdelay $0x1  }
0x2f: {  	[sflag:s18] =	ssyncset.done $0x0  }
0x30: {  	[sflag:s18] =	ssyncadd.s32 $0xFFFFCF00  }
.LBB2_1:
0x31: {  	[dreg:$0x11] =	wrdreg s28  }
0x32: {  	s16 =	rddreg [dreg:$0x3]  }
0x33: {  	s29 =	rddreg [dreg:$0x4];
	s28 =	sshrl.u32 s16, $0x3  }
0x34: {  	[dreg:$0x12] =	wrdreg s28  }
0x35: {  	[spmem:s28], [sflag:s17] =	dma.local [hbm:s29], $0x3100  }
0x36: {  	_ =	swait.ge [sflag:s18], $0x3100  }
0x37: {  	[sflag:s18] =	ssyncset.done $0x0  }
0x38: {  	[sflag:s18] =	ssyncadd.s32 $0xFFFFCF00  }
0x39: {  	[bflag:$0x0] =	sbarrier.arrive $0xFFFF  }
0x3a: {  	s17 =	simm.s32 $0x18800;
	s29 =	rddreg [dreg:$0x6]  }
0x3b: {  	[tilespmem:s17], [sflag:$0x1] =	stream.linear.gather [hbm4b:s29+s2], $0xC8, $0x38;
	[tilespmem:$0x1F240] =	vst v63  }
0x3c: {  	s18 =	rddreg [dreg:$0x7];
	s29 =	simm.s32 $0x18B20  }
0x3d: {  	[tilespmem:s29], [sflag:$0x5] =	stream.linear.gather [hbm4b:s18+s2], $0xC8, $0x38;
	[tilespmem:$0x1F240] =	vst v63  }
0x3e: {  	s18 =	rddreg [dreg:$0x8];
	s29 =	simm.s32 $0x188C8  }
0x3f: {  	[tilespmem:s29], [sflag:$0x2] =	stream.linear.gather [hbm4b:s18+s2], $0xC8, $0x38;
	[tilespmem:$0x1F240] =	vst v63  }
0x40: {  	s18 =	rddreg [dreg:$0x9];
	s29 =	simm.s32 $0x18BE8  }
0x41: {  	[tilespmem:s29], [sflag:$0x6] =	stream.linear.gather [hbm4b:s18+s2], $0xC8, $0x38;
	[tilespmem:$0x1F240] =	vst v63  }
0x42: {  	s29 =	rddreg [dreg:$0xa]  }
0x43: {  	[tilespmem:s30], [sflag:$0x3] =	stream.linear.gather [hbm4b:s29+s2], $0xC8, $0x38;
	[tilespmem:$0x1F240] =	vst v63  }
0x44: {  	s18 =	rddreg [dreg:$0xb];
	s29 =	simm.s32 $0x1  }
0x45: {  	[tilespmem:s31], [sflag:$0x7] =	stream.linear.gather [hbm4b:s18+s2], $0xC8, $0x38;
	[tilespmem:$0x1F240] =	vst v63  }
0x46: {  	_ =	swait.ge [sflag:s29], $0xC8  }
0x47: {  	[sflag:s29] =	ssyncset.done $0x0  }
0x48: {  	s28 =	simm.s32 $0x0;
	[sflag:s29] =	ssyncadd.s32 $0xFFFFFF38  }
0x49: {  	[tilespmem:s5], [sflag:$0x9] =	stream.indirect.gather [hbm4b:s4+s3], $0x40, s17, s3, $0xb8;
	[tilespmem:$0x1F240] =	vst v63  }
.LBB2_2:
0x4a: {  	_ =	swait.ge [sflag:s6], $0x3200  }
0x4b: {  	[sflag:s6] =	ssyncset.done $0x0  }
0x4c: {  	[sflag:s6] =	ssyncadd.s32 $0xFFFFCE00  }
0x4d: {  	_ =	swait.ge [sflag:s8], $0xC8  }
0x4e: {  	p0 =	seq.s32 s28, $0x0;
	[sflag:s8] =	ssyncset.done $0x0  }
0x4f: {  	s29 =	simm.s32 @!p0 $0xC;
	[sflag:s8] =	ssyncadd.s32 $0xFFFFFF38  }
0x50: {  	_ =	swait.ge @!p0 [sflag:s29], $0x3200  }
0x51: {  	[sflag:s29] =	ssyncset.done @!p0 $0x0  }
0x52: {  	s16 =	simm.s32 $0x188C8;
	[sflag:s29] =	ssyncadd.s32 @!p0 $0xFFFFCE00  }
0x53: {  	[tilespmem:s9], [sflag:$0xA] =	stream.indirect.gather [hbm4b:s4+s3], $0x40, s16, s3, $0xb8;
	[tilespmem:$0x1F240] =	vst v63  }
0x54: {  	_ =	swait.ge [sflag:s10], $0xC8  }
0x55: {  	[sflag:s10] =	ssyncset.done $0x0  }
0x56: {  	s29 =	simm.s32 $0x18B20;
	[sflag:s10] =	ssyncadd.s32 $0xFFFFFF38  }
0x57: {  	[spmem:s1] =	stream.indirect.scatter.add.f32 [tilespmem:s5], [sflag:$0xB], $0x40, s29, s3, $0xb8;
	[tilespmem:$0x1F240] =	vst v63  }
0x58: {  	s17 =	sadd.s32 s28, s23  }
0x59: {  	[tilespmem:s11], [sflag:$0x4] =	stream.linear.gather [hbm4b:s17+s2], $0xC8, $0x38;
	[tilespmem:$0x1F240] =	vst v63  }
0x5a: {  	s18 =	sadd.s32 s28, s22  }
0x5b: {  	[tilespmem:s12], [sflag:$0x8] =	stream.linear.gather [hbm4b:s18+s2], $0xC8, $0x38;
	[tilespmem:$0x1F240] =	vst v63  }
0x5c: {  	_ =	swait.ge [sflag:s13], $0x3200  }
0x5d: {  	[sflag:s13] =	ssyncset.done $0x0  }
0x5e: {  	[sflag:s13] =	ssyncadd.s32 $0xFFFFCE00  }
0x5f: {  	_ =	swait.ge [sflag:s14], $0xC8  }
0x60: {  	[sflag:s14] =	ssyncset.done $0x0  }
0x61: {  	[sflag:s14] =	ssyncadd.s32 $0xFFFFFF38  }
0x62: {  	_ =	swait.ge [sflag:s15], $0x3200  }
0x63: {  	[sflag:s15] =	ssyncset.done $0x0  }
0x64: {  	[sflag:s15] =	ssyncadd.s32 $0xFFFFCE00  }
0x65: {  	[tilespmem:s5], [sflag:$0x9] =	stream.indirect.gather [hbm4b:s4+s3], $0x40, s30, s3, $0xb8;
	[tilespmem:$0x1F240] =	vst v63  }
0x66: {  	_ =	swait.ge [sflag:s25], $0xC8  }
0x67: {  	[sflag:s25] =	ssyncset.done $0x0  }
0x68: {  	p0 =	seq.s32 s28, $0x189C;
	s29 =	simm.s32 $0x18BE8;
	[sflag:s25] =	ssyncadd.s32 $0xFFFFFF38  }
0x69: {  	[spmem:s1] =	stream.indirect.scatter.add.f32 [tilespmem:s9], [sflag:$0xC], $0x40, s29, s3, $0xb8;
	[tilespmem:$0x1F240] =	vst v63  }
0x6a: {  	s16 =	simm.s32 @!p0 $0x0;
	s17 =	simm.s32 @!p0 $0x18800;
	s29 =	sadd.s32 @!p0 s28, s21  }
0x6b: {  	[tilespmem:s17], [sflag:$0x1] =	stream.linear.gather @!p0 [hbm4b:s29+s16], $0xC8, $0x38;
	[tilespmem:$0x1F240] =	vst v63  }
0x6c: {  	s18 =	simm.s32 @!p0 $0x18B20;
	s29 =	sadd.s32 @!p0 s28, s20  }
0x6d: {  	[tilespmem:s18], [sflag:$0x5] =	stream.linear.gather @!p0 [hbm4b:s29+s16], $0xC8, $0x38;
	[tilespmem:$0x1F240] =	vst v63  }
0x6e: {  	_ =	swait.ge [sflag:s6], $0x3200  }
0x6f: {  	[sflag:s6] =	ssyncset.done $0x0  }
0x70: {  	[sflag:s6] =	ssyncadd.s32 $0xFFFFCE00  }
0x71: {  	_ =	swait.ge [sflag:s0], $0xC8  }
0x72: {  	[sflag:s0] =	ssyncset.done $0x0  }
0x73: {  	[sflag:s0] =	ssyncadd.s32 $0xFFFFFF38  }
0x74: {  	_ =	swait.ge [sflag:s7], $0x3200  }
0x75: {  	[sflag:s7] =	ssyncset.done $0x0  }
0x76: {  	[sflag:s7] =	ssyncadd.s32 $0xFFFFCE00  }
0x77: {  	[tilespmem:s9], [sflag:$0xA] =	stream.indirect.gather [hbm4b:s4+s3], $0x40, s11, s3, $0xb8;
	[tilespmem:$0x1F240] =	vst v63  }
0x78: {  	_ =	swait.ge [sflag:s24], $0xC8  }
0x79: {  	[sflag:s24] =	ssyncset.done $0x0  }
0x7a: {  	s18 =	simm.s32 @p0 $0xA;
	[sflag:s24] =	ssyncadd.s32 $0xFFFFFF38  }
0x7b: {  	[spmem:s1] =	stream.indirect.scatter.add.f32 [tilespmem:s5], [sflag:$0xB], $0x40, s31, s3, $0xb8;
	[tilespmem:$0x1F240] =	vst v63  }
0x7c: {  	_ =	swait.ge @p0 [sflag:s18], $0x3200  }
0x7d: {  	[sflag:s18] =	ssyncset.done @p0 $0x0  }
0x7e: {  	[sflag:s18] =	ssyncadd.s32 @p0 $0xFFFFCE00;
	s18 =	simm.s32 @p0 $0xB  }
0x7f: {  	_ =	swait.ge @p0 [sflag:s18], $0x3200  }
0x80: {  	[sflag:s18] =	ssyncset.done @p0 $0x0  }
0x81: {  	s29 =	simm.s32 @!p0 $0x188C8;
	[sflag:s18] =	ssyncadd.s32 @p0 $0xFFFFCE00;
	s18 =	sadd.s32 @!p0 s28, s19  }
0x82: {  	[tilespmem:s29], [sflag:$0x2] =	stream.linear.gather @!p0 [hbm4b:s18+s16], $0xC8, $0x38;
	[tilespmem:$0x1F240] =	vst v63  }
0x83: {  	s18 =	rddreg [dreg:$0x10]  }
0x84: {  	s29 =	simm.s32 @!p0 $0x18BE8;
	s18 =	sadd.s32 @!p0 s28, s18  }
0x85: {  	[tilespmem:s29], [sflag:$0x6] =	stream.linear.gather @!p0 [hbm4b:s18+s16], $0xC8, $0x38;
	[tilespmem:$0x1F240] =	vst v63  }
0x86: {  	s16 =	simm.s32 @!p0 $0xA  }
0x87: {  	_ =	swait.ge @!p0 [sflag:s16], $0x3200  }
0x88: {  	[sflag:s16] =	ssyncset.done @!p0 $0x0  }
0x89: {  	[sflag:s16] =	ssyncadd.s32 @!p0 $0xFFFFCE00;
	s16 =	simm.s32 @!p0 $0x1  }
0x8a: {  	_ =	swait.ge @!p0 [sflag:s16], $0xC8  }
0x8b: {  	[sflag:s16] =	ssyncset.done @!p0 $0x0  }
0x8c: {  	[sflag:s16] =	ssyncadd.s32 @!p0 $0xFFFFFF38;
	s16 =	simm.s32 @!p0 $0xB  }
0x8d: {  	_ =	swait.ge @!p0 [sflag:s16], $0x3200  }
0x8e: {  	[sflag:s16] =	ssyncset.done @!p0 $0x0  }
0x8f: {  	s18 =	simm.s32 @!p0 $0x18E40;
	[sflag:s16] =	ssyncadd.s32 @!p0 $0xFFFFCE00;
	s16 =	simm.s32 @!p0 $0xC8  }
0x90: {  	[tilespmem:s18], [sflag:$0x9] =	stream.indirect.gather @!p0 [hbm4b:s4+s16], $0x40, s17, s16, $0xb8;
	[tilespmem:$0x1F240] =	vst v63  }
.Ltmp2:
0x91: {  	_ = 	snop;
	(pc) =	sbr.rel @p0 .LBB2_4-.Ltmp2, $4  }
0x92: {  	_ =	swait.ge [sflag:s26], $0xC8  }
0x93: {  	[sflag:s26] =	ssyncset.done $0x0  }
0x94: {  	[sflag:s26] =	ssyncadd.s32 $0xFFFFFF38  }
0x95: {  	[spmem:s1] =	stream.indirect.scatter.add.f32 [tilespmem:s9], [sflag:$0xC], $0x40, s12, s3, $0xb8;
	[tilespmem:$0x1F240] =	vst v63  }
.Ltmp3:
0x96: {  	s16 =	rddreg [dreg:$0xf];
	(pc) =	sbr.rel .LBB2_2-.Ltmp3, $4  }
0x97: {  	s29 =	rddreg [dreg:$0xe];
	s16 =	sadd.s32 s28, s16  }
0x98: {  	[tilespmem:s30], [sflag:$0x3] =	stream.linear.gather [hbm4b:s16+s2], $0xC8, $0x38;
	[tilespmem:$0x1F240] =	vst v63  }
0x99: {  	s16 =	sadd.s32 s28, s29;
	s28 =	sadd.s32 $0x64, s28  }
0x9a: {  	[tilespmem:s31], [sflag:$0x7] =	stream.linear.gather [hbm4b:s16+s2], $0xC8, $0x38;
	[tilespmem:$0x1F240] =	vst v63  }
.LBB2_5:
0x9b: {  	_ =	sfence.sel $0x180000  }
0x9c: {  	[bflag:$0x0] =	sbarrier.arrive $0xFFFF  }
0x9d: {  	_ =	strace $0x9000004D  }
0x9e: {  	s0 =	stileid.u32;
	[bflag:$0x2] =	sbarrier.arrive $0xFFFF  }
0x9f: {  	p0 =	sne.s32 s0, $0x0;
	s0 =	rddreg [dreg:$0x2]  }
0xa0: {  	s0 =	sadd.s32 @!p0 $0x100000, s0  }
0xa1: {  	[sflag:s0] =	ssyncadd.tile.s32 @!p0 $0x1;
	_ =	shalt  }
.Lfunc_end2:
_tile_overlayer_lowered:
.L_overlay_start_2:
0xa2: {  	(tag) =	ssettag $0x2  }
0xa3: {  	s0 =	rddreg [dreg:$0x0];
	s2 =	stileid.u32  }
0xa4: {  	s1 =	rddreg [dreg:$0x1];
	p0 =	sne.s32 s2, $0x0  }
0xa5: {  	s3 =	rddreg [dreg:$0x2];
	[bflag:$0x3] =	sbarrier.arrive $0xFFFF;
	s2 =	simm.s32 @!p0 $0x1C0D  }
0xa6: {  	[timem:s3], [sflag:s2] =	dma.local @!p0 [hbm:s0], s1  }
0xa7: {  	s0 =	simm.s32 @!p0 $0xD  }
0xa8: {  	_ =	swait.ge @!p0 [sflag:s0], s1  }
0xa9: {  	s1 =	ssub.s32 @!p0 $0x0, s1;
	[sflag:s0] =	ssyncset.done @!p0 $0x0  }
0xaa: {  	[sflag:s0] =	ssyncadd.s32 @!p0 s1  }
0xab: {  	[bflag:$0x3] =	sbarrier.arrive $0xFFFF  }
0xac: {  	_ =	shalt  }

// kernel: kernel.8.cloned.1.call-start
scs
__scs_entry_jumppad:
0x0: {  	(pc) =	sbr.rel $0x88, $3  }
0x1: {  	(tag) =	ssettag $0x0;
	lr =	simm.s32 $0x1  }
0x2: {  	[smem:$0x3F9A] =	sst lr;
	_ =	strace $0xD0000000  }
0x3: {  	_ = 	snop  }
0x4: {  	_ = 	snop  }
0x5: {  	_ = 	snop  }
0x6: {  	_ = 	snop  }
0x7: {  	_ = 	snop  }
__scs_overlays_trampoline_lowered:
0x8: {  	[smem:$0x3FA9] =	sst s0  }
0x9: {  	[smem:$0x3FAA] =	sst s1  }
0xa: {  	[smem:$0x3FAB] =	sst s2  }
0xb: {  	[smem:$0x3FAC] =	sst s3  }
0xc: {  	[smem:$0x3FAD] =	sst s4  }
0xd: {  	[smem:$0x3FAE] =	sst s5  }
0xe: {  	[smem:$0x3FAF] =	sst s6  }
0xf: {  	[smem:$0x3FB0] =	sst s7  }
0x10: {  	[smem:$0x3FB1] =	sst s8  }
0x11: {  	[smem:$0x3FB2] =	sst s9;
	s0 =	simm.s32 @!p0 $0x0  }
0x12: {  	s1 =	sld [smem:$0x3F98];
	s0 =	simm.s32 @p0 $0x1  }
0x13: {  	[smem:$0x3FB3] =	sst s0;
	s0 =	simm.s32 @!p1 $0x0  }
0x14: {  	s2 =	sld [smem:$0x3F97];
	s0 =	simm.s32 @p1 $0x1  }
0x15: {  	[smem:$0x3FB4] =	sst s0;
	s0 =	simm.s32 @!p2 $0x0  }
0x16: {  	s3 =	sld [smem:$0x3FDB];
	s0 =	simm.s32 @p2 $0x1  }
0x17: {  	s4 =	simm.s32 $0x1BF5;
	[smem:$0x3FB6] =	sst s0  }
0x18: {  	s0 =	sld [smem:$0x3F99];
	_ =	swait.ge [sflag:s4], $0x0  }
0x19: {  	s7 =	sld [smem:$0x3F9A]  }
0x1a: {  	s8 =	sadd.s32 $0xFFFFE003, lr  }
0x1b: {  	s9 =	sadd.s32 $0xFFFFFEF7, lr;
	s5 =	simm.s32 $0xFFFFFFFF;
	p2 =	slt.u32 s8, $0xFFFFF086  }
0x1c: {  	p1 =	slt.u32 s9, $0xF7A;
	s5 =	simm.s32 @!p2 $0x0  }
0x1d: {  	s5 =	simm.s32 @p1 $0x1;
	p0 =	seq.s32 s7, s2  }
0x1e: {  	s7 =	smul.u32 @!p0 $0xF7A, s2;
	p2 =	seq.s32 @!p0 s5, $0x0  }
0x1f: {  	s9 =	smul.u32 $0xF7A, s1;
	s8 =	simm.s32 @!p0 $0x1BF5;
	p2 =	por !p2, p0  }
0x20: {  	[sflag:s8] =	ssyncset.s32 @!p0 $0xFFFFF086;
	s6 =	sadd.s32 @!p0 s3, s7;
	s7 =	simm.s32 @!p0 $0x108  }
0x21: {  	s3 =	sadd.s32 s3, s9;
	s6 =	sadd.s32 @!p0 $0x88, s6;
	s7 =	simm.s32 @p2 $0x1082  }
0x22: {  	[simem:s7], [sflag:s8] =	dma.local @!p0 [hbm:s6], $0xF7A  }
0x23: {  	s9 =	sor.u32 $0xD0000000, s2;
	s6 =	simm.s32 $0x108;
	_ =	swait.ge @!p0 [sflag:s8], $0x0  }
0x24: {  	s3 =	sadd.s32 $0x88, s3;
	s6 =	simm.s32 @!p1 $0x1082;
	[sflag:s4] =	ssyncset.s32 $0xFFFFF086  }
0x25: {  	[simem:s6], [sflag:s4] =	dma.local [hbm:s3], $0xF7A  }
0x26: {  	[smem:$0x3F9A] =	sst s1;
	(tag) =	ssettag s2;
	_ =	strace s9  }
0x27: {  	s1 =	sld [smem:$0x3FAA]  }
0x28: {  	s2 =	sld [smem:$0x3FAB]  }
0x29: {  	s4 =	sld [smem:$0x3FAD]  }
0x2a: {  	p0 =	seq.s32 s5, $0x0;
	s5 =	sld [smem:$0x3FAE]  }
0x2b: {  	s6 =	sld [smem:$0x3FAF]  }
0x2c: {  	s7 =	sld [smem:$0x3FB0]  }
0x2d: {  	s3 =	simm.s32 $0x108;
	s8 =	sld [smem:$0x3FB1]  }
0x2e: {  	s3 =	simm.s32 @!p0 $0x1082;
	s9 =	sld [smem:$0x3FB2]  }
0x2f: {  	lr =	sadd.s32 s0, s3;
	s0 =	sld [smem:$0x3FA9]  }
0x30: {  	s3 =	sld [smem:$0x3FAC]  }
0x31: {  	[smem:$0x3FB5] =	sst s10  }
0x32: {  	s10 =	sld [smem:$0x3FB3];
	_ =	sdelay $0x3  }
0x33: {  	p0 =	seq.s32 s10, $0x1;
	s10 =	sld [smem:$0x3FB5];
	_ =	sdelay $0x3  }
0x34: {  	[smem:$0x3FB5] =	sst s10  }
0x35: {  	s10 =	sld [smem:$0x3FB4];
	_ =	sdelay $0x3  }
0x36: {  	p1 =	seq.s32 s10, $0x1;
	s10 =	sld [smem:$0x3FB5];
	_ =	sdelay $0x3  }
0x37: {  	[smem:$0x3FB5] =	sst s10  }
0x38: {  	s10 =	sld [smem:$0x3FB6]  }
0x39: {  	_ = 	snop;
	(pc) =	sbr.ind lr, $3  }
0x3a: {  	_ = 	snop  }
0x3b: {  	_ = 	snop  }
0x3c: {  	p2 =	seq.s32 s10, $0x1;
	s10 =	sld [smem:$0x3FB5]  }
0x3d: {  	_ =	shalt  }
0x3e: {  	_ =	shalt  }
0x3f: {  	_ =	shalt  }
0x40: {  	_ =	shalt  }
0x41: {  	_ =	shalt  }
0x42: {  	_ =	shalt  }
0x43: {  	_ =	shalt  }
0x44: {  	_ =	shalt  }
0x45: {  	_ =	shalt  }
0x46: {  	_ =	shalt  }
0x47: {  	_ =	shalt  }
0x48: {  	_ =	shalt  }
0x49: {  	_ =	shalt  }
0x4a: {  	_ =	shalt  }
0x4b: {  	_ =	shalt  }
0x4c: {  	_ =	shalt  }
0x4d: {  	_ =	shalt  }
0x4e: {  	_ =	shalt  }
0x4f: {  	_ =	shalt  }
0x50: {  	_ =	shalt  }
0x51: {  	_ =	shalt  }
0x52: {  	_ =	shalt  }
0x53: {  	_ =	shalt  }
0x54: {  	_ =	shalt  }
0x55: {  	_ =	shalt  }
0x56: {  	_ =	shalt  }
0x57: {  	_ =	shalt  }
0x58: {  	_ =	shalt  }
0x59: {  	_ =	shalt  }
0x5a: {  	_ =	shalt  }
0x5b: {  	_ =	shalt  }
0x5c: {  	_ =	shalt  }
0x5d: {  	_ =	shalt  }
0x5e: {  	_ =	shalt  }
0x5f: {  	_ =	shalt  }
0x60: {  	_ =	shalt  }
0x61: {  	_ =	shalt  }
0x62: {  	_ =	shalt  }
0x63: {  	_ =	shalt  }
0x64: {  	_ =	shalt  }
0x65: {  	_ =	shalt  }
0x66: {  	_ =	shalt  }
0x67: {  	_ =	shalt  }
0x68: {  	_ =	shalt  }
0x69: {  	_ =	shalt  }
0x6a: {  	_ =	shalt  }
0x6b: {  	_ =	shalt  }
0x6c: {  	_ =	shalt  }
0x6d: {  	_ =	shalt  }
0x6e: {  	_ =	shalt  }
0x6f: {  	_ =	shalt  }
0x70: {  	_ =	shalt  }
0x71: {  	_ =	shalt  }
0x72: {  	_ =	shalt  }
0x73: {  	_ =	shalt  }
0x74: {  	_ =	shalt  }
0x75: {  	_ =	shalt  }
0x76: {  	_ =	shalt  }
0x77: {  	_ =	shalt  }
0x78: {  	_ =	shalt  }
0x79: {  	_ =	shalt  }
0x7a: {  	_ =	shalt  }
0x7b: {  	_ =	shalt  }
0x7c: {  	_ =	shalt  }
0x7d: {  	_ =	shalt  }
0x7e: {  	_ =	shalt  }
0x7f: {  	_ =	shalt  }
0x80: {  	_ =	shalt  }
0x81: {  	_ =	shalt  }
0x82: {  	_ =	shalt  }
0x83: {  	_ =	shalt  }
0x84: {  	_ =	shalt  }
0x85: {  	_ =	shalt  }
0x86: {  	_ =	shalt  }
0x87: {  	_ =	shalt  }
.Lfunc_end0:
.L_simem_size_0:
called_computation_lowered:
.L_overlay_start_0:
0x88: {  	s2 =	sld [smem:$0x3FD9]  }
0x89: {  	s3 =	sld [smem:$0x3FFE];
	_ =	sdelay $0x1  }
0x8a: {  	s1 =	srdreg.scid  }
0x8b: {  	s0 =	sand.u32 $0x1, s1  }
0x8c: {  	s14 =	sshll.u32 s0, $0xA;
	s2 =	sadd.s32 s3, s2  }
0x8d: {  	s2 =	sadd.s32 s2, s14  }
0x8e: {  	[smem:$0x3FC1] =	sst s2  }
0x8f: {  	_ = 	snop  }
0x90: {  	s2 =	sld [smem:$0x3FD0];
	_ =	sdelay $0x2  }
0x91: {  	s15 =	simm.s32 $0xA;
	s4 =	simm.s32 $0x10  }
0x92: {  	[smem:s4], [sflag:s15] =	dma.local [hbm:s2], $0x1  }
0x93: {  	_ =	swait.eq [sflag:s15], $0x1  }
0x94: {  	[sflag:s15] =	ssyncset.done $0x0  }
0x95: {  	s16 =	sld [smem:$0x12];
	[sflag:s15] =	ssyncadd.s32 $0xFFFFFFFF  }
0x96: {  	s17 =	sld [smem:$0x13];
	(tm) =	ssettm $0x1  }
0x97: {  	s18 =	sld [smem:$0x3FFB];
	_ =	sdelay $0x3  }
0x98: {  	_ =	strace s18  }
0x99: {  	s4 =	sld [smem:$0x3FFC];
	_ =	sdelay $0x3  }
0x9a: {  	_ =	strace s4  }
0x9b: {  	s4 =	sld [smem:$0x3FFD];
	_ =	sdelay $0x3  }
0x9c: {  	_ =	strace s4  }
0x9d: {  	_ =	strace $0x8FFFFFFF  }
0x9e: {  	s19 =	sld [smem:$0x3FDB];
	_ =	sdelay $0x1  }
0x9f: {  	s5 =	simm.s32 $_scs_section_size  }
0xa0: {  	s6 =	simm.s32 $_size__tile_overlayer_lowered;
	s7 =	simm.s32 $_tile_overlayer_lowered  }
0xa1: {  	s22 =	simm.s32 $0x1BFF;
	s21 =	sshll.u32 s7, $0x1;
	s4 =	sadd.s32 s5, s19  }
0xa2: {  	s8 =	simm.s32 $0x0;
	s20 =	sshll.u32 s6, $0x1;
	s6 =	sadd.s32 s21, s4  }
0xa3: {  	[timem:s8], [sflag:s22] =	dma.local [hbm:s6], s20  }
0xa4: {  	_ =	swait.ge [sflag:s22], s20  }
0xa5: {  	s5 =	ssub.s32 $0x0, s20;
	[sflag:s22] =	ssyncset.done $0x0  }
0xa6: {  	[sflag:s22] =	ssyncadd.s32 s5;
	_ =	sdelay $0x1  }
0xa7: {  	s23 =	simm.s32 $0x1B8B  }
0xa8: {  	_ =	swait.ge [sflag:s23], $0x1  }
0xa9: {  	[sflag:s23] =	ssyncset.done $0x0  }
0xaa: {  	s25 =	simm.s32 $0x1B8E;
	s24 =	sld [smem:$0x3FFE];
	[sflag:s23] =	ssyncadd.s32 $0xFFFFFFFF  }
0xab: {  	s26 =	simm.s32 $execute0_lowered;
	[smem:$0x3FD2] =	sst s25  }
0xac: {  	s6 =	sshll.u32 s26, $0x1;
	_ =	strace $0x80000046;
	[dreg:$0x1] =	wrdreg $0xFFFFFFFF  }
0xad: {  	s28 =	simm.s32 $_size_execute0_lowered;
	s4 =	sadd.s32 s4, s6;
	[dreg:$0x0] =	wrdreg $0x0  }
0xae: {  	s6 =	sshll.u32 s28, $0x1;
	[dreg:$0x2] =	wrdreg s4  }
0xaf: {  	[dreg:$0x3] =	wrdreg s6  }
0xb0: {  	[dreg:$0x4] =	wrdreg $0xC0  }
0xb1: {  	_ =	task [dreg:s8], $0x5FFFF  }
0xb2: {  	[dreg:$0x1] =	wrdreg $0xFFFFFFFF  }
0xb3: {  	[dreg:$0x0] =	wrdreg $0x60  }
0xb4: {  	[dreg:$0x2] =	wrdreg s24  }
0xb5: {  	[dreg:$0x3] =	wrdreg s16  }
0xb6: {  	[dreg:$0x4] =	wrdreg s17  }
0xb7: {  	[dreg:$0x5] =	wrdreg $0x0  }
0xb8: {  	[dreg:$0x6] =	wrdreg $0x9  }
0xb9: {  	_ =	task.clear_ibuf [dreg:s8], $0x7FFFF;
	_ =	strace $0x90000046  }
0xba: {  	s29 =	simm.s32 $0x9;
	_ =	strace $0x80000048  }
0xbb: {  	_ =	swait.ge [sflag:s29], $0x1  }
0xbc: {  	[sflag:s29] =	ssyncadd.s32 $0xFFFFFFFF  }
0xbd: {  	_ =	strace $0x90000048  }
0xbe: {  	_ =	sfence  }
0xbf: {  	s30 =	sld [smem:$0x0];
	_ =	sdelay $0x2  }
0xc0: {  	s31 =	sshll.u32 s1, $0xD;
	s1 =	sshrl.u32 s1, $0x2  }
0xc1: {  	s3 =	sand.u32 $0x4000, s31;
	s1 =	sadd.s32 s1, s30  }
0xc2: {  	s0 =	sor.u32 s3, s0;
	s1 =	sshll.u32 s1, $0x11  }
0xc3: {  	s0 =	sor.u32 s1, s0  }
0xc4: {  	s0 =	sadd.s32 $0x8F2B, s0  }
0xc5: {  	[sflag:s0] =	ssyncadd.remote.s32 $0x1  }
0xc6: {  	_ =	sfence.sel $0xFFFF  }
0xc7: {  	[dreg:$0x0] =	wrdreg $0xFFFFFFFF;
	(pc) =	sbr.abs _section_cstart, $3  }
0xc8: {  	[dreg:$0x1] =	wrdreg $0xFFFFFFFF  }
0xc9: {  	_ =	task.clear_ibuf [dreg:s8], $0x2FFFF;
	_ =	strace $0x9FFFFFFF  }
0xca: {  	(tm) =	ssettm $0x7FFFFFFF  }
0xcb: {  	_ =	shalt  }
tec
execute0_lowered:
.L_overlay_start_1:
0x0: {  	(tag) =	ssettag $0x1  }
0x1: {  	s0 =	rddreg [dreg:$0x0]  }
0x2: {  	s11 =	rddreg [dreg:$0x1]  }
0x3: {  	s1 =	rddreg [dreg:$0x2]  }
0x4: {  	s2 =	rddreg [dreg:$0x3]  }
0x5: {  	s4 =	simm.s32 $0x0;
	s3 =	srdreg.scid;
	s19 =	stileid.u32  }
0x6: {  	s28 =	simm.s32 $0x2;
	s29 =	simm.s32 $0x70D8;
	s7 =	smul.u32 $0xC800, s19  }
0x7: {  	s30 =	simm.s32 $0x3;
	s31 =	simm.s32 $0x5;
	s9 =	smul.u32 $0x6200, s19  }
0x8: {  	[smem:$0x7FF] =	sst s4;
	s3 =	sand.u32 $0x1, s3;
	s26 =	smul.u32 $0xC40, s19  }
0x9: {  	s0 =	sadd.s32 $0x35200, s0;
	s5 =	smul.u32 $0xC8000, s3;
	s6 =	ssub.s32 $0x2, s3  }
0xa: {  	_ =	strace $0x80000047;
	s3 =	smul.u32 $0xC400, s3;
	s8 =	sshrl.u32 s6, $0x1  }
0xb: {  	s21 =	sadd.s32 s9, s2;
	s13 =	sshrl.u32 s9, $0x3;
	s10 =	ssub.s32 s6, s8  }
0xc: {  	s5 =	sadd.s32 s7, s5;
	s6 =	sadd.s32 s11, s13;
	s3 =	sadd.s32 s26, s3  }
0xd: {  	s26 =	sshll.u32 s19, $0x6;
	s19 =	simm.s32 $0x7;
	s21 =	sshrl.u32 s21, $0x3  }
0xe: {  	s7 =	sshrl.u32 s5, $0x3;
	[dreg:$0x5] =	wrdreg s6;
	s14 =	sor.u32 $0x190, s5  }
0xf: {  	s15 =	sor.u32 $0x258, s5;
	s12 =	sor.u32 $0x320, s5;
	s13 =	sor.u32 $0x3E8, s5  }
0x10: {  	s8 =	sadd.s32 s1, s3;
	s9 =	smax.u32 s10, $0x1;
	s23 =	sor.u32 $0x640, s5  }
0x11: {  	s24 =	sor.u32 $0x578, s5;
	s6 =	sadd.s32 s0, s7;
	s16 =	sshrl.u32 s14, $0x3  }
0x12: {  	s17 =	sshrl.u32 s15, $0x3;
	s18 =	sshrl.u32 s12, $0x3;
	s20 =	sshrl.u32 s13, $0x3  }
0x13: {  	s14 =	sor.u32 $0x708, s5;
	s1 =	sshrl.u32 s23, $0x3;
	s3 =	sshrl.u32 s24, $0x3  }
0x14: {  	s5 =	sor.u32 $0x4B0, s5;
	s23 =	simm.s32 $0x6F48;
	s24 =	simm.s32 $0x1  }
0x15: {  	s7 =	sadd.s32 $0x19, s6;
	s10 =	sadd.s32 s0, s16;
	s11 =	sadd.s32 s0, s17  }
0x16: {  	s12 =	sadd.s32 s0, s18;
	s13 =	sadd.s32 s0, s20;
	s22 =	sshrl.u32 s14, $0x3  }
.Ltmp0:
0x17: {  	s15 =	sadd.s32 s1, s0;
	s16 =	sadd.s32 s3, s0;
	(pc) =	sbr.rel .LBB2_1-.Ltmp0, $4  }
0x18: {  	s25 =	sshrl.u32 s5, $0x3;
	s18 =	simm.s32 $0x6200;
	s20 =	sor.u32 $0x1C07, s26  }
0x19: {  	s26 =	simm.s32 $0x7010;
	s3 =	simm.s32 $0x6;
	s1 =	simm.s32 $0x0  }
0x1a: {  	[dreg:$0x6] =	wrdreg s7;
	s14 =	sadd.s32 s22, s0;
	s17 =	sadd.s32 s25, s0  }
0x1b: {  	s22 =	simm.s32 $0x6E80;
	s25 =	simm.s32 $0xC8;
	s0 =	simm.s32 $0x4  }
.LBB2_4:
0x1c: {  	_ =	swait.ge [sflag:s0], $0xC8  }
0x1d: {  	[sflag:s0] =	ssyncset.done $0x0  }
0x1e: {  	[sflag:s0] =	ssyncadd.s32 $0xFFFFFF38  }
0x1f: {  	_ =	swait.ge [sflag:s3], $0xC80  }
0x20: {  	[sflag:s3] =	ssyncset.done $0x0  }
0x21: {  	[sflag:s3] =	ssyncadd.s32 $0xFFFFF380  }
0x22: {  	[spmem:s2] =	stream.indirect.scatter.add.f32 [tilespmem:s18], [sflag:$0x6], $0x10, s29, s25, $0xb8;
	[tilespmem:$0x71A0] =	vst v63  }
0x23: {  	_ =	swait.ge [sflag:s31], $0xC80  }
0x24: {  	[sflag:s31] =	ssyncset.done $0x0  }
0x25: {  	[sflag:s31] =	ssyncadd.s32 $0xFFFFF380  }
0x26: {  	_ =	swait.ge [sflag:s3], $0xC80  }
0x27: {  	s1 =	sadd.s32 $0x1, s1;
	[sflag:s3] =	ssyncset.done $0x0  }
0x28: {  	p0 =	sne.s32 s1, s9;
	[sflag:s3] =	ssyncadd.s32 $0xFFFFF380  }
.Ltmp1:
0x29: {  	[bflag:$0x0] =	sbarrier.arrive $0xFFFF;
	(pc) =	sbr.rel @!p0 .LBB2_5-.Ltmp1, $4  }
0x2a: {  	[hbm:s8], [sflag:s20] =	dma.local [spmem:s21], $0xC40  }
0x2b: {  	_ =	swait.ge [sflag:s19], $0xC40  }
0x2c: {  	[sflag:s19] =	ssyncset.done $0x0  }
0x2d: {  	[sflag:s19] =	ssyncadd.s32 $0xFFFFF3C0  }
.LBB2_1:
0x2e: {  	s5 =	rddreg [dreg:$0x1]  }
0x2f: {  	[tilespmem:s18], [sflag:$0x7] =	stream.linear.gather [hbm4b:s5+s4], $0xC80, $0x38;
	[tilespmem:$0x71A0] =	vst v63  }
0x30: {  	_ =	swait.ge [sflag:s19], $0xC80  }
0x31: {  	[sflag:s19] =	ssyncset.done $0x0  }
0x32: {  	s7 =	rddreg [dreg:$0x5];
	[sflag:s19] =	ssyncadd.s32 $0xFFFFF380  }
0x33: {  	[spmem:s21], [sflag:s20] =	dma.local [hbm:s7], $0xC40  }
0x34: {  	_ =	swait.ge [sflag:s19], $0xC40  }
0x35: {  	[sflag:s19] =	ssyncset.done $0x0  }
0x36: {  	[sflag:s19] =	ssyncadd.s32 $0xFFFFF3C0  }
0x37: {  	[bflag:$0x0] =	sbarrier.arrive $0xFFFF  }
0x38: {  	[tilespmem:s22], [sflag:$0x1] =	stream.linear.gather [hbm4b:s6+s4], $0xC8, $0x38;
	[tilespmem:$0x71A0] =	vst v63  }
0x39: {  	s7 =	rddreg [dreg:$0x6]  }
0x3a: {  	[tilespmem:s23], [sflag:$0x2] =	stream.linear.gather [hbm4b:s7+s4], $0xC8, $0x38;
	[tilespmem:$0x71A0] =	vst v63  }
0x3b: {  	_ =	swait.ge [sflag:s24], $0xC8  }
0x3c: {  	[sflag:s24] =	ssyncset.done $0x0  }
0x3d: {  	[sflag:s24] =	ssyncadd.s32 $0xFFFFFF38  }
0x3e: {  	[spmem:s2] =	stream.indirect.scatter.add.f32 [tilespmem:s18], [sflag:$0x5], $0x10, s22, s25, $0xb8;
	[tilespmem:$0x71A0] =	vst v63  }
0x3f: {  	_ = 	snop  }
0x40: {  	[tilespmem:s26], [sflag:$0x3] =	stream.linear.gather [hbm4b:s10+s4], $0xC8, $0x38;
	[tilespmem:$0x71A0] =	vst v63  }
0x41: {  	_ =	swait.ge [sflag:s28], $0xC8  }
0x42: {  	[sflag:s28] =	ssyncset.done $0x0  }
0x43: {  	[sflag:s28] =	ssyncadd.s32 $0xFFFFFF38  }
0x44: {  	[spmem:s2] =	stream.indirect.scatter.add.f32 [tilespmem:s18], [sflag:$0x6], $0x10, s23, s25, $0xb8;
	[tilespmem:$0x71A0] =	vst v63  }
0x45: {  	_ = 	snop  }
0x46: {  	[tilespmem:s29], [sflag:$0x4] =	stream.linear.gather [hbm4b:s11+s4], $0xC8, $0x38;
	[tilespmem:$0x71A0] =	vst v63  }
0x47: {  	_ =	swait.ge [sflag:s30], $0xC8  }
0x48: {  	[sflag:s30] =	ssyncset.done $0x0  }
0x49: {  	[sflag:s30] =	ssyncadd.s32 $0xFFFFFF38  }
0x4a: {  	_ =	swait.ge [sflag:s31], $0xC80  }
0x4b: {  	[sflag:s31] =	ssyncset.done $0x0  }
0x4c: {  	[sflag:s31] =	ssyncadd.s32 $0xFFFFF380  }
0x4d: {  	[spmem:s2] =	stream.indirect.scatter.add.f32 [tilespmem:s18], [sflag:$0x5], $0x10, s26, s25, $0xb8;
	[tilespmem:$0x71A0] =	vst v63  }
0x4e: {  	_ = 	snop  }
0x4f: {  	[tilespmem:s22], [sflag:$0x1] =	stream.linear.gather [hbm4b:s12+s4], $0xC8, $0x38;
	[tilespmem:$0x71A0] =	vst v63  }
0x50: {  	_ =	swait.ge [sflag:s0], $0xC8  }
0x51: {  	[sflag:s0] =	ssyncset.done $0x0  }
0x52: {  	[sflag:s0] =	ssyncadd.s32 $0xFFFFFF38  }
0x53: {  	_ =	swait.ge [sflag:s3], $0xC80  }
0x54: {  	[sflag:s3] =	ssyncset.done $0x0  }
0x55: {  	[sflag:s3] =	ssyncadd.s32 $0xFFFFF380  }
0x56: {  	[spmem:s2] =	stream.indirect.scatter.add.f32 [tilespmem:s18], [sflag:$0x6], $0x10, s29, s25, $0xb8;
	[tilespmem:$0x71A0] =	vst v63  }
0x57: {  	s5 =	simm.s32 $0x0  }
0x58: {  	[tilespmem:s23], [sflag:$0x2] =	stream.linear.gather [hbm4b:s13+s4], $0xC8, $0x38;
	[tilespmem:$0x71A0] =	vst v63  }
.LBB2_2:
0x59: {  	_ =	swait.ge [sflag:s24], $0xC8  }
0x5a: {  	[sflag:s24] =	ssyncset.done $0x0  }
0x5b: {  	[sflag:s24] =	ssyncadd.s32 $0xFFFFFF38  }
0x5c: {  	_ =	swait.ge [sflag:s31], $0xC80  }
0x5d: {  	[sflag:s31] =	ssyncset.done $0x0  }
0x5e: {  	[sflag:s31] =	ssyncadd.s32 $0xFFFFF380  }
0x5f: {  	[spmem:s2] =	stream.indirect.scatter.add.f32 [tilespmem:s18], [sflag:$0x5], $0x10, s22, s25, $0xb8;
	[tilespmem:$0x71A0] =	vst v63  }
0x60: {  	s7 =	sadd.s32 s5, s17  }
0x61: {  	[tilespmem:s26], [sflag:$0x3] =	stream.linear.gather [hbm4b:s7+s4], $0xC8, $0x38;
	[tilespmem:$0x71A0] =	vst v63  }
0x62: {  	_ =	swait.ge [sflag:s28], $0xC8  }
0x63: {  	[sflag:s28] =	ssyncset.done $0x0  }
0x64: {  	[sflag:s28] =	ssyncadd.s32 $0xFFFFFF38  }
0x65: {  	_ =	swait.ge [sflag:s3], $0xC80  }
0x66: {  	[sflag:s3] =	ssyncset.done $0x0  }
0x67: {  	[sflag:s3] =	ssyncadd.s32 $0xFFFFF380  }
0x68: {  	[spmem:s2] =	stream.indirect.scatter.add.f32 [tilespmem:s18], [sflag:$0x6], $0x10, s23, s25, $0xb8;
	[tilespmem:$0x71A0] =	vst v63  }
0x69: {  	s7 =	sadd.s32 s5, s16  }
0x6a: {  	[tilespmem:s29], [sflag:$0x4] =	stream.linear.gather [hbm4b:s7+s4], $0xC8, $0x38;
	[tilespmem:$0x71A0] =	vst v63  }
0x6b: {  	_ =	swait.ge [sflag:s30], $0xC8  }
0x6c: {  	p0 =	seq.s32 s5, $0x1838;
	[sflag:s30] =	ssyncset.done $0x0  }
.Ltmp2:
0x6d: {  	[sflag:s30] =	ssyncadd.s32 $0xFFFFFF38;
	(pc) =	sbr.rel @p0 .LBB2_4-.Ltmp2, $4  }
0x6e: {  	_ =	swait.ge [sflag:s31], $0xC80  }
0x6f: {  	[sflag:s31] =	ssyncset.done $0x0  }
0x70: {  	[sflag:s31] =	ssyncadd.s32 $0xFFFFF380  }
0x71: {  	[spmem:s2] =	stream.indirect.scatter.add.f32 [tilespmem:s18], [sflag:$0x5], $0x10, s26, s25, $0xb8;
	[tilespmem:$0x71A0] =	vst v63  }
0x72: {  	s7 =	sadd.s32 s5, s15  }
0x73: {  	[tilespmem:s22], [sflag:$0x1] =	stream.linear.gather [hbm4b:s7+s4], $0xC8, $0x38;
	[tilespmem:$0x71A0] =	vst v63  }
0x74: {  	_ =	swait.ge [sflag:s0], $0xC8  }
0x75: {  	[sflag:s0] =	ssyncset.done $0x0  }
0x76: {  	[sflag:s0] =	ssyncadd.s32 $0xFFFFFF38  }
0x77: {  	_ =	swait.ge [sflag:s3], $0xC80  }
.Ltmp3:
0x78: {  	[sflag:s3] =	ssyncset.done $0x0;
	(pc) =	sbr.rel .LBB2_2-.Ltmp3, $4  }
0x79: {  	[sflag:s3] =	ssyncadd.s32 $0xFFFFF380  }
0x7a: {  	[spmem:s2] =	stream.indirect.scatter.add.f32 [tilespmem:s18], [sflag:$0x6], $0x10, s29, s25, $0xb8;
	[tilespmem:$0x71A0] =	vst v63  }
0x7b: {  	s7 =	sadd.s32 s5, s14;
	s5 =	sadd.s32 $0x64, s5  }
0x7c: {  	[tilespmem:s23], [sflag:$0x2] =	stream.linear.gather [hbm4b:s7+s4], $0xC8, $0x38;
	[tilespmem:$0x71A0] =	vst v63  }
.LBB2_5:
0x7d: {  	_ =	sfence.sel $0x180000  }
0x7e: {  	[bflag:$0x0] =	sbarrier.arrive $0xFFFF  }
0x7f: {  	_ =	strace $0x90000047  }
0x80: {  	s0 =	stileid.u32;
	[bflag:$0x2] =	sbarrier.arrive $0xFFFF  }
0x81: {  	p0 =	sne.s32 s0, $0x0;
	s0 =	rddreg [dreg:$0x4]  }
0x82: {  	s0 =	sadd.s32 @!p0 $0x100000, s0  }
0x83: {  	[sflag:s0] =	ssyncadd.tile.s32 @!p0 $0x1;
	_ =	shalt  }
.Lfunc_end2:
_tile_overlayer_lowered:
.L_overlay_start_2:
0x84: {  	(tag) =	ssettag $0x2  }
0x85: {  	s0 =	rddreg [dreg:$0x0];
	s2 =	stileid.u32  }
0x86: {  	s1 =	rddreg [dreg:$0x1];
	p0 =	sne.s32 s2, $0x0  }
0x87: {  	s3 =	rddreg [dreg:$0x2];
	[bflag:$0x3] =	sbarrier.arrive $0xFFFF;
	s2 =	simm.s32 @!p0 $0x1C07  }
0x88: {  	[timem:s3], [sflag:s2] =	dma.local @!p0 [hbm:s0], s1  }
0x89: {  	s0 =	simm.s32 @!p0 $0x7  }
0x8a: {  	_ =	swait.ge @!p0 [sflag:s0], s1  }
0x8b: {  	s1 =	ssub.s32 @!p0 $0x0, s1;
	[sflag:s0] =	ssyncset.done @!p0 $0x0  }
0x8c: {  	[sflag:s0] =	ssyncadd.s32 @!p0 s1  }
0x8d: {  	[bflag:$0x3] =	sbarrier.arrive $0xFFFF  }
0x8e: {  	_ =	shalt  }

</sc_bundles>
